<compile_context>
chip_gen: v7x
topology: tpu7x:2x2x1
jax: 0.10.2.dev20260603
libtpu: 0.0.44.dev20260713+nightly
codegen_flags: <defaults>
</compile_context>

<pallas_src>
import math

import jax
import jax.numpy as jnp
from jax import lax
from jax.experimental import pallas as pl
from jax.experimental.pallas import tpu as pltpu
from jax.experimental.pallas import tpu_sc as plsc

_N_NODES = 100000
_N_EDGES = 6400000
_P = 1.852
_NC = 2
_NS = 16
_NW = _NC * _NS
_PER_W = _N_EDGES // _NW
_CHUNK = 800
_N_CHUNKS = _PER_W // _CHUNK
_GROUPS = _CHUNK // 16

_C = (1.4426592196, -0.72077582817, 0.48478361101, -0.38679567777,
      0.25271571639)
_SQRT2 = 1.4142135623730951
_LN2 = math.log(2.0)


def _spow_p(x):
    xb = plsc.bitcast(x, jnp.int32)
    xi = lax.bitwise_and(xb, 0x7FFFFFFF)
    e = lax.shift_right_logical(xi, 23) - 127
    mi = lax.bitwise_or(lax.bitwise_and(xi, 0x007FFFFF), 0x3F800000)
    m = plsc.bitcast(mi, jnp.float32)
    big = m >= _SQRT2
    m = jnp.where(big, m * 0.5, m)
    ef = e.astype(jnp.float32) + jnp.where(big, 1.0, 0.0).astype(jnp.float32)
    t = m - 1.0
    poly = jnp.float32(_C[4])
    for c in (_C[3], _C[2], _C[1], _C[0]):
        poly = poly * t + jnp.float32(c)
    log2x = ef + t * poly
    p = jnp.exp(log2x * jnp.float32(_P * _LN2))
    pb = plsc.bitcast(p, jnp.int32)
    sgn = lax.bitwise_and(xb, jnp.int32(-2147483648))
    return plsc.bitcast(lax.bitwise_or(pb, sgn), jnp.float32)


def _edge_body(out_hbm, ei_hbm, virt_hbm, lc_hbm, ny_hbm, ey_hbm,
               o1_hbm, o2_hbm, flg_hbm,
               ny_v, bufs0, bufs1, fl_v, isem0, isem1, osem0, osem1):
    c = lax.axis_index("c")
    s = lax.axis_index("s")
    wid = s * _NC + c
    base_w = wid * _PER_W
    pltpu.sync_copy(ny_hbm, ny_v)

    def in_pairs(base, bufs):
        fr_v, to_v, out_v, ey_v, virt_v, lc_v, _, _ = bufs
        return ((ei_hbm.at[pl.ds(base, _CHUNK)], fr_v),
                (ei_hbm.at[pl.ds(_N_EDGES + base, _CHUNK)], to_v),
                (out_hbm.at[pl.ds(base, _CHUNK)], out_v),
                (ey_hbm.at[pl.ds(base, _CHUNK)], ey_v),
                (virt_hbm.at[pl.ds(base, _CHUNK)], virt_v),
                (lc_hbm.at[pl.ds(base, _CHUNK)], lc_v))

    def fire_in(base, bufs, sem):
        for src, dst in in_pairs(base, bufs):
            pltpu.async_copy(src, dst, sem)

    def wait_in(base, bufs, sem):
        for src, dst in in_pairs(base, bufs):
            pltpu.make_async_copy(src, dst, sem).wait()

    def fire_out(base, bufs, sem):
        o1_v, o2_v = bufs[6], bufs[7]
        pltpu.async_copy(o1_v, o1_hbm.at[pl.ds(base, _CHUNK)], sem)
        pltpu.async_copy(o2_v, o2_hbm.at[pl.ds(base, _CHUNK)], sem)

    def wait_out(base, bufs, sem):
        o1_v, o2_v = bufs[6], bufs[7]
        pltpu.make_async_copy(o1_v, o1_hbm.at[pl.ds(base, _CHUNK)], sem).wait()
        pltpu.make_async_copy(o2_v, o2_hbm.at[pl.ds(base, _CHUNK)], sem).wait()

    def compute(bufs, acc):
        fr_v, to_v, out_v, ey_v, virt_v, lc_v, o1_v, o2_v = bufs

        def grp(g, acc):
          for u in range(2):
            i = g * 2 + u
            sl = pl.ds(i * 16, 16)
            fr = fr_v[sl]
            to = to_v[sl]
            ydiff = plsc.load_gather(ny_v, [to]) - plsc.load_gather(ny_v, [fr])
            virt = virt_v[sl]
            lc = jnp.abs(lc_v[sl])
            o = out_v[sl] + 1e-6
            hl = _spow_p(o) * lc
            is_real = virt == 0.0
            virtual = jnp.where(is_real, 1.0, 0.0).astype(jnp.float32)
            ey = ey_v[sl]
            fle = _spow_p(ey) * lc
            err = jnp.abs(ydiff - fle)
            ah = jnp.abs(ydiff)
            disc = ((err > 0.01) & (err > 0.01 * (ah + 0.01))
                    & (ah > 0.001) & is_real)
            o1_v[sl] = hl * virtual
            o2_v[sl] = ydiff * virtual
            acc = jnp.where(disc, 1.0, acc).astype(jnp.float32)
          return acc

        return lax.fori_loop(0, _GROUPS // 2, grp, acc)

    fire_in(base_w, bufs0, isem0)

    def pair_body(jp, acc):
        b0 = base_w + 2 * jp * _CHUNK
        b1 = b0 + _CHUNK
        fire_in(b1, bufs1, isem1)
        wait_in(b0, bufs0, isem0)

        @pl.when(jp != 0)
        def _():
            wait_out(b0, bufs0, osem0)

        acc = compute(bufs0, acc)
        fire_out(b0, bufs0, osem0)

        @pl.when(jp != _N_CHUNKS // 2 - 1)
        def _():
            fire_in(b1 + _CHUNK, bufs0, isem0)

        wait_in(b1, bufs1, isem1)

        @pl.when(jp != 0)
        def _():
            wait_out(b1, bufs1, osem1)

        acc = compute(bufs1, acc)
        fire_out(b1, bufs1, osem1)
        return acc

    acc = lax.fori_loop(0, _N_CHUNKS // 2, pair_body,
                        jnp.zeros((16,), jnp.float32))
    wait_out(base_w, bufs0, osem0)
    wait_out(base_w, bufs1, osem1)
    fl_v[0, :] = acc
    pltpu.sync_copy(fl_v, flg_hbm.at[pl.ds(wid, 1), :])


def _edge_kernel(output, ei_flat, virt_col, lc_col, node_y, edge_y):
    f32 = jnp.float32
    buf = (
        pltpu.VMEM((_CHUNK,), jnp.int32),
        pltpu.VMEM((_CHUNK,), jnp.int32),
        pltpu.VMEM((_CHUNK,), f32),
        pltpu.VMEM((_CHUNK,), f32),
        pltpu.VMEM((_CHUNK,), f32),
        pltpu.VMEM((_CHUNK,), f32),
        pltpu.VMEM((_CHUNK,), f32),
        pltpu.VMEM((_CHUNK,), f32),
    )
    return pl.kernel(
        _edge_body,
        out_type=(
            jax.ShapeDtypeStruct((_N_EDGES,), f32),
            jax.ShapeDtypeStruct((_N_EDGES,), f32),
            jax.ShapeDtypeStruct((_NW, 16), f32),
        ),
        mesh=plsc.VectorSubcoreMesh(core_axis_name="c", subcore_axis_name="s"),
        compiler_params=pltpu.CompilerParams(needs_layout_passes=False),
        scratch_types=(
            pltpu.VMEM((_N_NODES,), f32),
            buf,
            buf,
            pltpu.VMEM((1, 16), f32),
            pltpu.SemaphoreType.DMA,
            pltpu.SemaphoreType.DMA,
            pltpu.SemaphoreType.DMA,
            pltpu.SemaphoreType.DMA,
        ),
    )(output, ei_flat, virt_col, lc_col, node_y, edge_y)


_ROWS = 50000
_FILL_ROWS = 1000


def _nan_body(flg_ref, o1_in, o2_in, o1_out, o2_out, nan_v, sem):
    bad = jnp.any(flg_ref[...] != 0.0)

    @pl.when(bad)
    def _():
        nan_v[...] = jnp.full((_FILL_ROWS, 128), jnp.nan, jnp.float32)

        def fill(i, carry):
            cp1 = pltpu.make_async_copy(
                nan_v, o1_out.at[pl.ds(i * _FILL_ROWS, _FILL_ROWS), :], sem)
            cp1.start()
            cp1.wait()
            cp2 = pltpu.make_async_copy(
                nan_v, o2_out.at[pl.ds(i * _FILL_ROWS, _FILL_ROWS), :], sem)
            cp2.start()
            cp2.wait()
            return carry

        lax.fori_loop(0, _ROWS // _FILL_ROWS, fill, 0)


def _nan_kernel(flags, o1, o2):
    f32 = jnp.float32
    return pl.pallas_call(
        _nan_body,
        out_shape=(
            jax.ShapeDtypeStruct((_ROWS, 128), f32),
            jax.ShapeDtypeStruct((_ROWS, 128), f32),
        ),
        in_specs=[
            pl.BlockSpec(memory_space=pltpu.VMEM),
            pl.BlockSpec(memory_space=pl.ANY),
            pl.BlockSpec(memory_space=pl.ANY),
        ],
        out_specs=[
            pl.BlockSpec(memory_space=pl.ANY),
            pl.BlockSpec(memory_space=pl.ANY),
        ],
        input_output_aliases={1: 0, 2: 1},
        scratch_shapes=[
            pltpu.VMEM((_FILL_ROWS, 128), f32),
            pltpu.SemaphoreType.DMA,
        ],
    )(flags, o1, o2)


def kernel(output, edge_index, edge_attr, node_y, edge_y):
    ei_flat = edge_index.reshape(-1)
    virt_col = edge_attr[:, 0]
    lc_col = edge_attr[:, 1]
    o1, o2, flags = _edge_kernel(output, ei_flat, virt_col, lc_col,
                                 node_y, edge_y)
    o1f, o2f = _nan_kernel(flags.reshape(4, 128),
                           o1.reshape(_ROWS, 128), o2.reshape(_ROWS, 128))
    return o1f.reshape(-1), o2f.reshape(-1)

# --- scband reference (transcript-rebuilt; emitter-appended) ---
"""Pipeline reference for scband-head-loss-41618233098866 (READ-ONLY COPY).

The authoritative reference and input builder live on the scoring server;
editing this copy changes nothing except your own understanding.
"""

import jax, jax.numpy as jnp
import numpy as np

N_NODES = 100000
N_EDGES = 6400000
D_EDGE = 4
VIRTUAL_IDX = 0
LC_IDX = 1
P_EXP = 1.852


def setup_inputs(seed: int = 0) -> dict:
    key = jax.random.key(seed)
    k1, k2, k3, k4, k5, k6 = jax.random.split(key, 6)
    edge_index = jax.random.randint(k1, (2, N_EDGES), 0, N_NODES, dtype=jnp.int32)
    node_y = jax.random.normal(k2, (N_NODES,), dtype=jnp.float32)
    lc = jax.random.uniform(k3, (N_EDGES,), minval=0.1, maxval=2.0, dtype=jnp.float32)
    virtual = (jax.random.uniform(k4, (N_EDGES,)) < 0.2).astype(jnp.float32)
    other = jax.random.normal(k5, (N_EDGES, D_EDGE), dtype=jnp.float32)
    edge_attr = other.at[:, VIRTUAL_IDX].set(virtual).at[:, LC_IDX].set(lc)
    # construct edge_y (target flowrates) so that the internal validity assert passes:
    # sign(t)*|t|**1.852 * lc == head_diff  =>  t = sign(hd) * (|hd|/lc)**(1/1.852)
    hd = node_y[edge_index[1]] - node_y[edge_index[0]]
    edge_y = jnp.sign(hd) * (jnp.abs(hd) / lc) ** (1.0 / P_EXP)
    output = jax.random.normal(k6, (N_EDGES,), dtype=jnp.float32) * 0.1
    return {"output": output, "edge_index": edge_index, "edge_attr": edge_attr, "node_y": node_y, "edge_y": edge_y}


def reference(output, edge_index, edge_attr, node_y, edge_y):
    # get_headloss_from_flowrates
    o = output + 1e-06
    flowrates = jnp.sign(o) * jnp.abs(o) ** P_EXP
    lc = jnp.abs(edge_attr[:, LC_IDX])
    head_loss = flowrates * lc
    # get_headloss_from_nodes: gather node heads at edge endpoints
    from_nodes = edge_index[0]
    to_nodes = edge_index[1]
    y_head_diff = jnp.take(node_y, to_nodes, axis=0) - jnp.take(node_y, from_nodes, axis=0)
    # virtual mask (edges with virtual flag == 0 are kept)
    virtual = (edge_attr[:, VIRTUAL_IDX] == 0)
    # test_validity (no_grad path in torch; eager concrete check here)
    vbool = edge_attr[:, VIRTUAL_IDX].astype(bool)
    keep = ~vbool
    hl = y_head_diff
    fl = (jnp.sign(edge_y) * jnp.abs(edge_y) ** P_EXP) * lc
    err = jnp.abs(hl - fl)
    relative_err = err / (jnp.abs(hl) + 0.01) > 0.01
    abs_err = err > 0.01
    hl_err = jnp.abs(hl) > 0.001
    discrepancy = jnp.all(jnp.stack([abs_err, relative_err, hl_err]), axis=0) & keep
    valid_factor = jnp.where(jnp.any(discrepancy), jnp.float32(jnp.nan), jnp.float32(1.0))
    # BaseLoss wrapper multiplies by weight=1 (tuple * 1 is identity in torch)
    return (head_loss * virtual * valid_factor, y_head_diff * virtual * valid_factor)

if __name__ == "__main__":
    import jax
    _d = setup_inputs()
    print(jax.jit(kernel)(*tuple(_d.values())))

</pallas_src>

<mosaic_0001>
#map = affine_map<(d0, d1) -> (0)>
#map1 = affine_map<(d0, d1) -> (0, 0)>
module attributes {stable_mosaic.version = 14 : i64} {
  func.func @_edge_body(%arg0: i32, %arg1: i32, %arg2: memref<6400000xf32, #tpu.memory_space<hbm>>, %arg3: memref<12800000xi32, #tpu.memory_space<hbm>>, %arg4: memref<6400000xf32, #tpu.memory_space<hbm>>, %arg5: memref<6400000xf32, #tpu.memory_space<hbm>>, %arg6: memref<100000xf32, #tpu.memory_space<hbm>>, %arg7: memref<6400000xf32, #tpu.memory_space<hbm>>, %arg8: memref<6400000xf32, #tpu.memory_space<hbm>>, %arg9: memref<6400000xf32, #tpu.memory_space<hbm>>, %arg10: memref<32x16xf32, #tpu.memory_space<hbm>>, %arg11: memref<100000xf32, #tpu.memory_space<vmem>>, %arg12: memref<800xi32, #tpu.memory_space<vmem>>, %arg13: memref<800xi32, #tpu.memory_space<vmem>>, %arg14: memref<800xf32, #tpu.memory_space<vmem>>, %arg15: memref<800xf32, #tpu.memory_space<vmem>>, %arg16: memref<800xf32, #tpu.memory_space<vmem>>, %arg17: memref<800xf32, #tpu.memory_space<vmem>>, %arg18: memref<800xf32, #tpu.memory_space<vmem>>, %arg19: memref<800xf32, #tpu.memory_space<vmem>>, %arg20: memref<800xi32, #tpu.memory_space<vmem>>, %arg21: memref<800xi32, #tpu.memory_space<vmem>>, %arg22: memref<800xf32, #tpu.memory_space<vmem>>, %arg23: memref<800xf32, #tpu.memory_space<vmem>>, %arg24: memref<800xf32, #tpu.memory_space<vmem>>, %arg25: memref<800xf32, #tpu.memory_space<vmem>>, %arg26: memref<800xf32, #tpu.memory_space<vmem>>, %arg27: memref<800xf32, #tpu.memory_space<vmem>>, %arg28: memref<1x16xf32, #tpu.memory_space<vmem>>, %arg29: memref<!tpu.dma_semaphore, #tpu.memory_space<semaphore_mem>>, %arg30: memref<!tpu.dma_semaphore, #tpu.memory_space<semaphore_mem>>, %arg31: memref<!tpu.dma_semaphore, #tpu.memory_space<semaphore_mem>>, %arg32: memref<!tpu.dma_semaphore, #tpu.memory_space<semaphore_mem>>) attributes {dimension_semantics = [#tpu.dimension_semantics<core_parallel>, #tpu.dimension_semantics<subcore_parallel>], iteration_bounds = array<i64: 2, 16>, scalar_prefetch = 0 : i64, scratch_operands = 22 : i64, tpu.core_type = #tpu.core_type<sc_vector_subcore>, window_params = [{transform_indices = #map}, {transform_indices = #map}, {transform_indices = #map}, {transform_indices = #map}, {transform_indices = #map}, {transform_indices = #map}, {transform_indices = #map}, {transform_indices = #map}, {transform_indices = #map1}]} {
    %mul3A = arith.constant 2 : i32
    %mul3A_0 = arith.muli %arg1, %mul3A : i32
    %add3A = arith.addi %mul3A_0, %arg0 : i32
    %mul3A_1 = arith.constant 200000 : i32
    %mul3A_2 = arith.muli %add3A, %mul3A_1 : i32
    "tpu.region"() ({
      %run_scoped3A = tpu.sem_alloc : memref<!tpu.dma_semaphore, #tpu.memory_space<semaphore_mem>>
      tpu.enqueue_dma source(%arg6 : memref<100000xf32, #tpu.memory_space<hbm>>) target(%arg11 : memref<100000xf32, #tpu.memory_space<vmem>>) target_semaphore(%run_scoped3A : memref<!tpu.dma_semaphore, #tpu.memory_space<semaphore_mem>>)
      tpu.wait_dma2 semaphore(%run_scoped3A : memref<!tpu.dma_semaphore, #tpu.memory_space<semaphore_mem>>) src(%arg6 : memref<100000xf32, #tpu.memory_space<hbm>>) dst(%arg11 : memref<100000xf32, #tpu.memory_space<vmem>>)
      tpu.yield
    }) : () -> ()
    %add3A_3 = arith.constant 6400000 : i32
    %add3A_4 = arith.addi %add3A_3, %mul3A_2 : i32
    %dma_start3A = tpu.memref_slice %arg3[%mul3A_2] : memref<12800000xi32, #tpu.memory_space<hbm>> -> memref<800xi32, #tpu.memory_space<hbm>>
    %dma_start3A_5 = tpu.memref_slice %arg3[%mul3A_2] : memref<12800000xi32, #tpu.memory_space<hbm>> -> memref<800xi32, #tpu.memory_space<hbm>>
    tpu.enqueue_dma source(%dma_start3A_5 : memref<800xi32, #tpu.memory_space<hbm>>) target(%arg12 : memref<800xi32, #tpu.memory_space<vmem>>) target_semaphore(%arg29 : memref<!tpu.dma_semaphore, #tpu.memory_space<semaphore_mem>>)
    %dma_start3A_6 = tpu.memref_slice %arg3[%add3A_4] : memref<12800000xi32, #tpu.memory_space<hbm>> -> memref<800xi32, #tpu.memory_space<hbm>>
    %dma_start3A_7 = tpu.memref_slice %arg3[%add3A_4] : memref<12800000xi32, #tpu.memory_space<hbm>> -> memref<800xi32, #tpu.memory_space<hbm>>
    tpu.enqueue_dma source(%dma_start3A_7 : memref<800xi32, #tpu.memory_space<hbm>>) target(%arg13 : memref<800xi32, #tpu.memory_space<vmem>>) target_semaphore(%arg29 : memref<!tpu.dma_semaphore, #tpu.memory_space<semaphore_mem>>)
    %dma_start3A_8 = tpu.memref_slice %arg2[%mul3A_2] : memref<6400000xf32, #tpu.memory_space<hbm>> -> memref<800xf32, #tpu.memory_space<hbm>>
    %dma_start3A_9 = tpu.memref_slice %arg2[%mul3A_2] : memref<6400000xf32, #tpu.memory_space<hbm>> -> memref<800xf32, #tpu.memory_space<hbm>>
    tpu.enqueue_dma source(%dma_start3A_9 : memref<800xf32, #tpu.memory_space<hbm>>) target(%arg14 : memref<800xf32, #tpu.memory_space<vmem>>) target_semaphore(%arg29 : memref<!tpu.dma_semaphore, #tpu.memory_space<semaphore_mem>>)
    %dma_start3A_10 = tpu.memref_slice %arg7[%mul3A_2] : memref<6400000xf32, #tpu.memory_space<hbm>> -> memref<800xf32, #tpu.memory_space<hbm>>
    %dma_start3A_11 = tpu.memref_slice %arg7[%mul3A_2] : memref<6400000xf32, #tpu.memory_space<hbm>> -> memref<800xf32, #tpu.memory_space<hbm>>
    tpu.enqueue_dma source(%dma_start3A_11 : memref<800xf32, #tpu.memory_space<hbm>>) target(%arg15 : memref<800xf32, #tpu.memory_space<vmem>>) target_semaphore(%arg29 : memref<!tpu.dma_semaphore, #tpu.memory_space<semaphore_mem>>)
    %dma_start3A_12 = tpu.memref_slice %arg4[%mul3A_2] : memref<6400000xf32, #tpu.memory_space<hbm>> -> memref<800xf32, #tpu.memory_space<hbm>>
    %dma_start3A_13 = tpu.memref_slice %arg4[%mul3A_2] : memref<6400000xf32, #tpu.memory_space<hbm>> -> memref<800xf32, #tpu.memory_space<hbm>>
    tpu.enqueue_dma source(%dma_start3A_13 : memref<800xf32, #tpu.memory_space<hbm>>) target(%arg16 : memref<800xf32, #tpu.memory_space<vmem>>) target_semaphore(%arg29 : memref<!tpu.dma_semaphore, #tpu.memory_space<semaphore_mem>>)
    %dma_start3A_14 = tpu.memref_slice %arg5[%mul3A_2] : memref<6400000xf32, #tpu.memory_space<hbm>> -> memref<800xf32, #tpu.memory_space<hbm>>
    %dma_start3A_15 = tpu.memref_slice %arg5[%mul3A_2] : memref<6400000xf32, #tpu.memory_space<hbm>> -> memref<800xf32, #tpu.memory_space<hbm>>
    tpu.enqueue_dma source(%dma_start3A_15 : memref<800xf32, #tpu.memory_space<hbm>>) target(%arg17 : memref<800xf32, #tpu.memory_space<vmem>>) target_semaphore(%arg29 : memref<!tpu.dma_semaphore, #tpu.memory_space<semaphore_mem>>)
    %broadcast_in_dim3A = arith.constant 0.000000e+00 : f32
    %broadcast_in_dim3A_16 = vector.broadcast %broadcast_in_dim3A : f32 to vector<16xf32>
    %scan3A = arith.constant 0 : i32
    %scan3A_17 = arith.constant 125 : i32
    %scan3A_18 = arith.addi %scan3A, %scan3A_17 : i32
    %scan3A_19 = arith.constant 1 : i32
    %scan3A_20 = scf.for %scan3A_32 = %scan3A to %scan3A_18 step %scan3A_19 iter_args(%scan3A_33 = %broadcast_in_dim3A_16) -> (vector<16xf32>)  : i32 {
      %mul3A_34 = arith.constant 2 : i32
      %mul3A_35 = arith.muli %mul3A_34, %scan3A_32 : i32
      %mul3A_36 = arith.constant 800 : i32
      %mul3A_37 = arith.muli %mul3A_35, %mul3A_36 : i32
      %add3A_38 = arith.addi %mul3A_2, %mul3A_37 : i32
      %add3A_39 = arith.constant 800 : i32
      %add3A_40 = arith.addi %add3A_38, %add3A_39 : i32
      %add3A_41 = arith.constant 6400000 : i32
      %add3A_42 = arith.addi %add3A_41, %add3A_40 : i32
      %dma_start3A_43 = tpu.memref_slice %arg3[%add3A_40] : memref<12800000xi32, #tpu.memory_space<hbm>> -> memref<800xi32, #tpu.memory_space<hbm>>
      %dma_start3A_44 = tpu.memref_slice %arg3[%add3A_40] : memref<12800000xi32, #tpu.memory_space<hbm>> -> memref<800xi32, #tpu.memory_space<hbm>>
      tpu.enqueue_dma source(%dma_start3A_44 : memref<800xi32, #tpu.memory_space<hbm>>) target(%arg20 : memref<800xi32, #tpu.memory_space<vmem>>) target_semaphore(%arg30 : memref<!tpu.dma_semaphore, #tpu.memory_space<semaphore_mem>>)
      %dma_start3A_45 = tpu.memref_slice %arg3[%add3A_42] : memref<12800000xi32, #tpu.memory_space<hbm>> -> memref<800xi32, #tpu.memory_space<hbm>>
      %dma_start3A_46 = tpu.memref_slice %arg3[%add3A_42] : memref<12800000xi32, #tpu.memory_space<hbm>> -> memref<800xi32, #tpu.memory_space<hbm>>
      tpu.enqueue_dma source(%dma_start3A_46 : memref<800xi32, #tpu.memory_space<hbm>>) target(%arg21 : memref<800xi32, #tpu.memory_space<vmem>>) target_semaphore(%arg30 : memref<!tpu.dma_semaphore, #tpu.memory_space<semaphore_mem>>)
      %dma_start3A_47 = tpu.memref_slice %arg2[%add3A_40] : memref<6400000xf32, #tpu.memory_space<hbm>> -> memref<800xf32, #tpu.memory_space<hbm>>
      %dma_start3A_48 = tpu.memref_slice %arg2[%add3A_40] : memref<6400000xf32, #tpu.memory_space<hbm>> -> memref<800xf32, #tpu.memory_space<hbm>>
      tpu.enqueue_dma source(%dma_start3A_48 : memref<800xf32, #tpu.memory_space<hbm>>) target(%arg22 : memref<800xf32, #tpu.memory_space<vmem>>) target_semaphore(%arg30 : memref<!tpu.dma_semaphore, #tpu.memory_space<semaphore_mem>>)
      %dma_start3A_49 = tpu.memref_slice %arg7[%add3A_40] : memref<6400000xf32, #tpu.memory_space<hbm>> -> memref<800xf32, #tpu.memory_space<hbm>>
      %dma_start3A_50 = tpu.memref_slice %arg7[%add3A_40] : memref<6400000xf32, #tpu.memory_space<hbm>> -> memref<800xf32, #tpu.memory_space<hbm>>
      tpu.enqueue_dma source(%dma_start3A_50 : memref<800xf32, #tpu.memory_space<hbm>>) target(%arg23 : memref<800xf32, #tpu.memory_space<vmem>>) target_semaphore(%arg30 : memref<!tpu.dma_semaphore, #tpu.memory_space<semaphore_mem>>)
      %dma_start3A_51 = tpu.memref_slice %arg4[%add3A_40] : memref<6400000xf32, #tpu.memory_space<hbm>> -> memref<800xf32, #tpu.memory_space<hbm>>
      %dma_start3A_52 = tpu.memref_slice %arg4[%add3A_40] : memref<6400000xf32, #tpu.memory_space<hbm>> -> memref<800xf32, #tpu.memory_space<hbm>>
      tpu.enqueue_dma source(%dma_start3A_52 : memref<800xf32, #tpu.memory_space<hbm>>) target(%arg24 : memref<800xf32, #tpu.memory_space<vmem>>) target_semaphore(%arg30 : memref<!tpu.dma_semaphore, #tpu.memory_space<semaphore_mem>>)
      %dma_start3A_53 = tpu.memref_slice %arg5[%add3A_40] : memref<6400000xf32, #tpu.memory_space<hbm>> -> memref<800xf32, #tpu.memory_space<hbm>>
      %dma_start3A_54 = tpu.memref_slice %arg5[%add3A_40] : memref<6400000xf32, #tpu.memory_space<hbm>> -> memref<800xf32, #tpu.memory_space<hbm>>
      tpu.enqueue_dma source(%dma_start3A_54 : memref<800xf32, #tpu.memory_space<hbm>>) target(%arg25 : memref<800xf32, #tpu.memory_space<vmem>>) target_semaphore(%arg30 : memref<!tpu.dma_semaphore, #tpu.memory_space<semaphore_mem>>)
      %add3A_55 = arith.constant 6400000 : i32
      %add3A_56 = arith.addi %add3A_55, %add3A_38 : i32
      %dma_wait3A_57 = tpu.memref_slice %arg3[%add3A_38] : memref<12800000xi32, #tpu.memory_space<hbm>> -> memref<800xi32, #tpu.memory_space<hbm>>
      %dma_wait3A_58 = tpu.memref_slice %arg3[%add3A_38] : memref<12800000xi32, #tpu.memory_space<hbm>> -> memref<800xi32, #tpu.memory_space<hbm>>
      tpu.wait_dma2 semaphore(%arg29 : memref<!tpu.dma_semaphore, #tpu.memory_space<semaphore_mem>>) src(%dma_wait3A_58 : memref<800xi32, #tpu.memory_space<hbm>>) dst(%arg12 : memref<800xi32, #tpu.memory_space<vmem>>)
      %dma_wait3A_59 = tpu.memref_slice %arg3[%add3A_56] : memref<12800000xi32, #tpu.memory_space<hbm>> -> memref<800xi32, #tpu.memory_space<hbm>>
      %dma_wait3A_60 = tpu.memref_slice %arg3[%add3A_56] : memref<12800000xi32, #tpu.memory_space<hbm>> -> memref<800xi32, #tpu.memory_space<hbm>>
      tpu.wait_dma2 semaphore(%arg29 : memref<!tpu.dma_semaphore, #tpu.memory_space<semaphore_mem>>) src(%dma_wait3A_60 : memref<800xi32, #tpu.memory_space<hbm>>) dst(%arg13 : memref<800xi32, #tpu.memory_space<vmem>>)
      %dma_wait3A_61 = tpu.memref_slice %arg2[%add3A_38] : memref<6400000xf32, #tpu.memory_space<hbm>> -> memref<800xf32, #tpu.memory_space<hbm>>
      %dma_wait3A_62 = tpu.memref_slice %arg2[%add3A_38] : memref<6400000xf32, #tpu.memory_space<hbm>> -> memref<800xf32, #tpu.memory_space<hbm>>
      tpu.wait_dma2 semaphore(%arg29 : memref<!tpu.dma_semaphore, #tpu.memory_space<semaphore_mem>>) src(%dma_wait3A_62 : memref<800xf32, #tpu.memory_space<hbm>>) dst(%arg14 : memref<800xf32, #tpu.memory_space<vmem>>)
      %dma_wait3A_63 = tpu.memref_slice %arg7[%add3A_38] : memref<6400000xf32, #tpu.memory_space<hbm>> -> memref<800xf32, #tpu.memory_space<hbm>>
      %dma_wait3A_64 = tpu.memref_slice %arg7[%add3A_38] : memref<6400000xf32, #tpu.memory_space<hbm>> -> memref<800xf32, #tpu.memory_space<hbm>>
      tpu.wait_dma2 semaphore(%arg29 : memref<!tpu.dma_semaphore, #tpu.memory_space<semaphore_mem>>) src(%dma_wait3A_64 : memref<800xf32, #tpu.memory_space<hbm>>) dst(%arg15 : memref<800xf32, #tpu.memory_space<vmem>>)
      %dma_wait3A_65 = tpu.memref_slice %arg4[%add3A_38] : memref<6400000xf32, #tpu.memory_space<hbm>> -> memref<800xf32, #tpu.memory_space<hbm>>
      %dma_wait3A_66 = tpu.memref_slice %arg4[%add3A_38] : memref<6400000xf32, #tpu.memory_space<hbm>> -> memref<800xf32, #tpu.memory_space<hbm>>
      tpu.wait_dma2 semaphore(%arg29 : memref<!tpu.dma_semaphore, #tpu.memory_space<semaphore_mem>>) src(%dma_wait3A_66 : memref<800xf32, #tpu.memory_space<hbm>>) dst(%arg16 : memref<800xf32, #tpu.memory_space<vmem>>)
      %dma_wait3A_67 = tpu.memref_slice %arg5[%add3A_38] : memref<6400000xf32, #tpu.memory_space<hbm>> -> memref<800xf32, #tpu.memory_space<hbm>>
      %dma_wait3A_68 = tpu.memref_slice %arg5[%add3A_38] : memref<6400000xf32, #tpu.memory_space<hbm>> -> memref<800xf32, #tpu.memory_space<hbm>>
      tpu.wait_dma2 semaphore(%arg29 : memref<!tpu.dma_semaphore, #tpu.memory_space<semaphore_mem>>) src(%dma_wait3A_68 : memref<800xf32, #tpu.memory_space<hbm>>) dst(%arg17 : memref<800xf32, #tpu.memory_space<vmem>>)
      %ne3A = arith.constant 0 : i32
      %ne3A_69 = arith.cmpi ne, %scan3A_32, %ne3A : i32
      %convert_element_type3A = arith.extui %ne3A_69 : i1 to i32
      %cond3A = arith.constant 0 : i32
      %cond3A_70 = arith.cmpi ne, %convert_element_type3A, %cond3A : i32
      scf.if %cond3A_70 {
        %dma_wait3A_115 = tpu.memref_slice %arg8[%add3A_38] : memref<6400000xf32, #tpu.memory_space<hbm>> -> memref<800xf32, #tpu.memory_space<hbm>>
        %dma_wait3A_116 = tpu.memref_slice %arg8[%add3A_38] : memref<6400000xf32, #tpu.memory_space<hbm>> -> memref<800xf32, #tpu.memory_space<hbm>>
        tpu.wait_dma2 semaphore(%arg31 : memref<!tpu.dma_semaphore, #tpu.memory_space<semaphore_mem>>) src(%arg18 : memref<800xf32, #tpu.memory_space<vmem>>) dst(%dma_wait3A_116 : memref<800xf32, #tpu.memory_space<hbm>>)
        %dma_wait3A_117 = tpu.memref_slice %arg9[%add3A_38] : memref<6400000xf32, #tpu.memory_space<hbm>> -> memref<800xf32, #tpu.memory_space<hbm>>
        %dma_wait3A_118 = tpu.memref_slice %arg9[%add3A_38] : memref<6400000xf32, #tpu.memory_space<hbm>> -> memref<800xf32, #tpu.memory_space<hbm>>
        tpu.wait_dma2 semaphore(%arg31 : memref<!tpu.dma_semaphore, #tpu.memory_space<semaphore_mem>>) src(%arg19 : memref<800xf32, #tpu.memory_space<vmem>>) dst(%dma_wait3A_118 : memref<800xf32, #tpu.memory_space<hbm>>)
      } else {
      }
      %scan3A_71 = arith.constant 0 : i32
      %scan3A_72 = arith.constant 25 : i32
      %scan3A_73 = arith.addi %scan3A_71, %scan3A_72 : i32
      %scan3A_74 = arith.constant 1 : i32
      %scan3A_75 = scf.for %scan3A_115 = %scan3A_71 to %scan3A_73 step %scan3A_74 iter_args(%scan3A_116 = %scan3A_33) -> (vector<16xf32>)  : i32 {
        %mul3A_117 = arith.constant 2 : i32
        %mul3A_118 = arith.muli %scan3A_115, %mul3A_117 : i32
        %add3A_119 = arith.constant 0 : i32
        %add3A_120 = arith.addi %mul3A_118, %add3A_119 : i32
        %mul3A_121 = arith.constant 16 : i32
        %mul3A_122 = arith.muli %add3A_120, %mul3A_121 : i32
        %get3A = arith.index_cast %mul3A_122 : i32 to index
        %get3A_123 = tpu.vector_load %arg12[%get3A] {strides = array<i32>} : memref<800xi32, #tpu.memory_space<vmem>>, vector<16xi32>,
        %get3A_124 = arith.index_cast %mul3A_122 : i32 to index
        %get3A_125 = tpu.vector_load %arg13[%get3A_124] {strides = array<i32>} : memref<800xi32, #tpu.memory_space<vmem>>, vector<16xi32>,
        %gather3A = tpu.vector_load_idx %arg11[%get3A_125] : memref<100000xf32, #tpu.memory_space<vmem>>[vector<16xi32>], vector<16xf32>,
        %gather3A_126 = tpu.vector_load_idx %arg11[%get3A_123] : memref<100000xf32, #tpu.memory_space<vmem>>[vector<16xi32>], vector<16xf32>,
        %sub3A = arith.subf %gather3A, %gather3A_126 : vector<16xf32>
        %get3A_127 = arith.index_cast %mul3A_122 : i32 to index
        %get3A_128 = tpu.vector_load %arg16[%get3A_127] {strides = array<i32>} : memref<800xf32, #tpu.memory_space<vmem>>, vector<16xf32>,
        %get3A_129 = arith.index_cast %mul3A_122 : i32 to index
        %get3A_130 = tpu.vector_load %arg17[%get3A_129] {strides = array<i32>} : memref<800xf32, #tpu.memory_space<vmem>>, vector<16xf32>,
        %abs3A = math.absf %get3A_130 : vector<16xf32>
        %get3A_131 = arith.index_cast %mul3A_122 : i32 to index
        %get3A_132 = tpu.vector_load %arg14[%get3A_131] {strides = array<i32>} : memref<800xf32, #tpu.memory_space<vmem>>, vector<16xf32>,
        %add3A_133 = arith.constant 9.99999997E-7 : f32
        %add3A_134 = vector.broadcast %add3A_133 : f32 to vector<16xf32>
        %add3A_135 = arith.addf %get3A_132, %add3A_134 : vector<16xf32>
        %bitcast3A = vector.bitcast %add3A_135 : vector<16xf32> to vector<16xi32>
        %and3A = arith.constant 2147483647 : i32
        %and3A_136 = vector.broadcast %and3A : i32 to vector<16xi32>
        %and3A_137 = arith.andi %bitcast3A, %and3A_136 : vector<16xi32>
        %shift_right_logical3A = arith.constant 23 : i32
        %shift_right_logical3A_138 = vector.broadcast %shift_right_logical3A : i32 to vector<16xi32>
        %shift_right_logical3A_139 = arith.shrui %and3A_137, %shift_right_logical3A_138 : vector<16xi32>
        %sub3A_140 = arith.constant 127 : i32
        %sub3A_141 = vector.broadcast %sub3A_140 : i32 to vector<16xi32>
        %sub3A_142 = arith.subi %shift_right_logical3A_139, %sub3A_141 : vector<16xi32>
        %and3A_143 = arith.constant 8388607 : i32
        %and3A_144 = vector.broadcast %and3A_143 : i32 to vector<16xi32>
        %and3A_145 = arith.andi %and3A_137, %and3A_144 : vector<16xi32>
        %or3A = arith.constant 1065353216 : i32
        %or3A_146 = vector.broadcast %or3A : i32 to vector<16xi32>
        %or3A_147 = arith.ori %and3A_145, %or3A_146 : vector<16xi32>
        %bitcast3A_148 = vector.bitcast %or3A_147 : vector<16xi32> to vector<16xf32>
        %ge3A = arith.constant 1.41421354 : f32
        %ge3A_149 = vector.broadcast %ge3A : f32 to vector<16xf32>
        %ge3A_150 = arith.cmpf oge, %bitcast3A_148, %ge3A_149 : vector<16xf32>
        %mul3A_151 = arith.constant 5.000000e-01 : f32
        %mul3A_152 = vector.broadcast %mul3A_151 : f32 to vector<16xf32>
        %mul3A_153 = arith.mulf %bitcast3A_148, %mul3A_152 : vector<16xf32>
        %select_n3A = arith.select %ge3A_150, %mul3A_153, %bitcast3A_148 : vector<16xi1>, vector<16xf32>
        %convert_element_type3A_154 = arith.sitofp %sub3A_142 : vector<16xi32> to vector<16xf32>
        %jit3A = arith.constant 1.000000e+00 : f32
        %jit3A_155 = arith.constant 0.000000e+00 : f32
        %broadcast_in_dim3A_156 = vector.broadcast %jit3A : f32 to vector<16xf32>
        %broadcast_in_dim3A_157 = vector.broadcast %jit3A_155 : f32 to vector<16xf32>
        %select_n3A_158 = arith.select %ge3A_150, %broadcast_in_dim3A_156, %broadcast_in_dim3A_157 : vector<16xi1>, vector<16xf32>
        %add3A_159 = arith.addf %convert_element_type3A_154, %select_n3A_158 : vector<16xf32>
        %sub3A_160 = arith.constant 1.000000e+00 : f32
        %sub3A_161 = vector.broadcast %sub3A_160 : f32 to vector<16xf32>
        %sub3A_162 = arith.subf %select_n3A, %sub3A_161 : vector<16xf32>
        %mul3A_163 = arith.constant 0.252715707 : f32
        %mul3A_164 = vector.broadcast %mul3A_163 : f32 to vector<16xf32>
        %mul3A_165 = arith.mulf %mul3A_164, %sub3A_162 : vector<16xf32>
        %add3A_166 = arith.constant -0.38679567 : f32
        %add3A_167 = vector.broadcast %add3A_166 : f32 to vector<16xf32>
        %add3A_168 = arith.addf %mul3A_165, %add3A_167 : vector<16xf32>
        %mul3A_169 = arith.mulf %add3A_168, %sub3A_162 : vector<16xf32>
        %add3A_170 = arith.constant 0.48478362 : f32
        %add3A_171 = vector.broadcast %add3A_170 : f32 to vector<16xf32>
        %add3A_172 = arith.addf %mul3A_169, %add3A_171 : vector<16xf32>
        %mul3A_173 = arith.mulf %add3A_172, %sub3A_162 : vector<16xf32>
        %add3A_174 = arith.constant -0.720775843 : f32
        %add3A_175 = vector.broadcast %add3A_174 : f32 to vector<16xf32>
        %add3A_176 = arith.addf %mul3A_173, %add3A_175 : vector<16xf32>
        %mul3A_177 = arith.mulf %add3A_176, %sub3A_162 : vector<16xf32>
        %add3A_178 = arith.constant 1.44265926 : f32
        %add3A_179 = vector.broadcast %add3A_178 : f32 to vector<16xf32>
        %add3A_180 = arith.addf %mul3A_177, %add3A_179 : vector<16xf32>
        %mul3A_181 = arith.mulf %sub3A_162, %add3A_180 : vector<16xf32>
        %add3A_182 = arith.addf %add3A_159, %mul3A_181 : vector<16xf32>
        %mul3A_183 = arith.constant 1.28370857 : f32
        %mul3A_184 = vector.broadcast %mul3A_183 : f32 to vector<16xf32>
        %mul3A_185 = arith.mulf %add3A_182, %mul3A_184 : vector<16xf32>
        %exp3A = math.exp %mul3A_185 : vector<16xf32>
        %bitcast3A_186 = vector.bitcast %exp3A : vector<16xf32> to vector<16xi32>
        %and3A_187 = arith.constant -2147483648 : i32
        %and3A_188 = vector.broadcast %and3A_187 : i32 to vector<16xi32>
        %and3A_189 = arith.andi %bitcast3A, %and3A_188 : vector<16xi32>
        %or3A_190 = arith.ori %bitcast3A_186, %and3A_189 : vector<16xi32>
        %bitcast3A_191 = vector.bitcast %or3A_190 : vector<16xi32> to vector<16xf32>
        %mul3A_192 = arith.mulf %bitcast3A_191, %abs3A : vector<16xf32>
        %eq3A = arith.constant 0.000000e+00 : f32
        %eq3A_193 = vector.broadcast %eq3A : f32 to vector<16xf32>
        %eq3A_194 = arith.cmpf oeq, %get3A_128, %eq3A_193 : vector<16xf32>
        %jit3A_195 = arith.constant 1.000000e+00 : f32
        %jit3A_196 = arith.constant 0.000000e+00 : f32
        %broadcast_in_dim3A_197 = vector.broadcast %jit3A_195 : f32 to vector<16xf32>
        %broadcast_in_dim3A_198 = vector.broadcast %jit3A_196 : f32 to vector<16xf32>
        %select_n3A_199 = arith.select %eq3A_194, %broadcast_in_dim3A_197, %broadcast_in_dim3A_198 : vector<16xi1>, vector<16xf32>
        %get3A_200 = arith.index_cast %mul3A_122 : i32 to index
        %get3A_201 = tpu.vector_load %arg15[%get3A_200] {strides = array<i32>} : memref<800xf32, #tpu.memory_space<vmem>>, vector<16xf32>,
        %bitcast3A_202 = vector.bitcast %get3A_201 : vector<16xf32> to vector<16xi32>
        %and3A_203 = arith.constant 2147483647 : i32
        %and3A_204 = vector.broadcast %and3A_203 : i32 to vector<16xi32>
        %and3A_205 = arith.andi %bitcast3A_202, %and3A_204 : vector<16xi32>
        %shift_right_logical3A_206 = arith.constant 23 : i32
        %shift_right_logical3A_207 = vector.broadcast %shift_right_logical3A_206 : i32 to vector<16xi32>
        %shift_right_logical3A_208 = arith.shrui %and3A_205, %shift_right_logical3A_207 : vector<16xi32>
        %sub3A_209 = arith.constant 127 : i32
        %sub3A_210 = vector.broadcast %sub3A_209 : i32 to vector<16xi32>
        %sub3A_211 = arith.subi %shift_right_logical3A_208, %sub3A_210 : vector<16xi32>
        %and3A_212 = arith.constant 8388607 : i32
        %and3A_213 = vector.broadcast %and3A_212 : i32 to vector<16xi32>
        %and3A_214 = arith.andi %and3A_205, %and3A_213 : vector<16xi32>
        %or3A_215 = arith.constant 1065353216 : i32
        %or3A_216 = vector.broadcast %or3A_215 : i32 to vector<16xi32>
        %or3A_217 = arith.ori %and3A_214, %or3A_216 : vector<16xi32>
        %bitcast3A_218 = vector.bitcast %or3A_217 : vector<16xi32> to vector<16xf32>
        %ge3A_219 = arith.constant 1.41421354 : f32
        %ge3A_220 = vector.broadcast %ge3A_219 : f32 to vector<16xf32>
        %ge3A_221 = arith.cmpf oge, %bitcast3A_218, %ge3A_220 : vector<16xf32>
        %mul3A_222 = arith.constant 5.000000e-01 : f32
        %mul3A_223 = vector.broadcast %mul3A_222 : f32 to vector<16xf32>
        %mul3A_224 = arith.mulf %bitcast3A_218, %mul3A_223 : vector<16xf32>
        %select_n3A_225 = arith.select %ge3A_221, %mul3A_224, %bitcast3A_218 : vector<16xi1>, vector<16xf32>
        %convert_element_type3A_226 = arith.sitofp %sub3A_211 : vector<16xi32> to vector<16xf32>
        %jit3A_227 = arith.constant 1.000000e+00 : f32
        %jit3A_228 = arith.constant 0.000000e+00 : f32
        %broadcast_in_dim3A_229 = vector.broadcast %jit3A_227 : f32 to vector<16xf32>
        %broadcast_in_dim3A_230 = vector.broadcast %jit3A_228 : f32 to vector<16xf32>
        %select_n3A_231 = arith.select %ge3A_221, %broadcast_in_dim3A_229, %broadcast_in_dim3A_230 : vector<16xi1>, vector<16xf32>
        %add3A_232 = arith.addf %convert_element_type3A_226, %select_n3A_231 : vector<16xf32>
        %sub3A_233 = arith.constant 1.000000e+00 : f32
        %sub3A_234 = vector.broadcast %sub3A_233 : f32 to vector<16xf32>
        %sub3A_235 = arith.subf %select_n3A_225, %sub3A_234 : vector<16xf32>
        %mul3A_236 = arith.constant 0.252715707 : f32
        %mul3A_237 = vector.broadcast %mul3A_236 : f32 to vector<16xf32>
        %mul3A_238 = arith.mulf %mul3A_237, %sub3A_235 : vector<16xf32>
        %add3A_239 = arith.constant -0.38679567 : f32
        %add3A_240 = vector.broadcast %add3A_239 : f32 to vector<16xf32>
        %add3A_241 = arith.addf %mul3A_238, %add3A_240 : vector<16xf32>
        %mul3A_242 = arith.mulf %add3A_241, %sub3A_235 : vector<16xf32>
        %add3A_243 = arith.constant 0.48478362 : f32
        %add3A_244 = vector.broadcast %add3A_243 : f32 to vector<16xf32>
        %add3A_245 = arith.addf %mul3A_242, %add3A_244 : vector<16xf32>
        %mul3A_246 = arith.mulf %add3A_245, %sub3A_235 : vector<16xf32>
        %add3A_247 = arith.constant -0.720775843 : f32
        %add3A_248 = vector.broadcast %add3A_247 : f32 to vector<16xf32>
        %add3A_249 = arith.addf %mul3A_246, %add3A_248 : vector<16xf32>
        %mul3A_250 = arith.mulf %add3A_249, %sub3A_235 : vector<16xf32>
        %add3A_251 = arith.constant 1.44265926 : f32
        %add3A_252 = vector.broadcast %add3A_251 : f32 to vector<16xf32>
        %add3A_253 = arith.addf %mul3A_250, %add3A_252 : vector<16xf32>
        %mul3A_254 = arith.mulf %sub3A_235, %add3A_253 : vector<16xf32>
        %add3A_255 = arith.addf %add3A_232, %mul3A_254 : vector<16xf32>
        %mul3A_256 = arith.constant 1.28370857 : f32
        %mul3A_257 = vector.broadcast %mul3A_256 : f32 to vector<16xf32>
        %mul3A_258 = arith.mulf %add3A_255, %mul3A_257 : vector<16xf32>
        %exp3A_259 = math.exp %mul3A_258 : vector<16xf32>
        %bitcast3A_260 = vector.bitcast %exp3A_259 : vector<16xf32> to vector<16xi32>
        %and3A_261 = arith.constant -2147483648 : i32
        %and3A_262 = vector.broadcast %and3A_261 : i32 to vector<16xi32>
        %and3A_263 = arith.andi %bitcast3A_202, %and3A_262 : vector<16xi32>
        %or3A_264 = arith.ori %bitcast3A_260, %and3A_263 : vector<16xi32>
        %bitcast3A_265 = vector.bitcast %or3A_264 : vector<16xi32> to vector<16xf32>
        %mul3A_266 = arith.mulf %bitcast3A_265, %abs3A : vector<16xf32>
        %sub3A_267 = arith.subf %sub3A, %mul3A_266 : vector<16xf32>
        %abs3A_268 = math.absf %sub3A_267 : vector<16xf32>
        %abs3A_269 = math.absf %sub3A : vector<16xf32>
        %gt3A = arith.constant 0.00999999977 : f32
        %gt3A_270 = vector.broadcast %gt3A : f32 to vector<16xf32>
        %gt3A_271 = arith.cmpf ogt, %abs3A_268, %gt3A_270 : vector<16xf32>
        %add3A_272 = arith.constant 0.00999999977 : f32
        %add3A_273 = vector.broadcast %add3A_272 : f32 to vector<16xf32>
        %add3A_274 = arith.addf %abs3A_269, %add3A_273 : vector<16xf32>
        %mul3A_275 = arith.constant 0.00999999977 : f32
        %mul3A_276 = vector.broadcast %mul3A_275 : f32 to vector<16xf32>
        %mul3A_277 = arith.mulf %mul3A_276, %add3A_274 : vector<16xf32>
        %gt3A_278 = arith.cmpf ogt, %abs3A_268, %mul3A_277 : vector<16xf32>
        %and3A_279 = arith.andi %gt3A_271, %gt3A_278 : vector<16xi1>
        %gt3A_280 = arith.constant 1.000000e-03 : f32
        %gt3A_281 = vector.broadcast %gt3A_280 : f32 to vector<16xf32>
        %gt3A_282 = arith.cmpf ogt, %abs3A_269, %gt3A_281 : vector<16xf32>
        %and3A_283 = arith.andi %and3A_279, %gt3A_282 : vector<16xi1>
        %and3A_284 = arith.andi %and3A_283, %eq3A_194 : vector<16xi1>
        %mul3A_285 = arith.mulf %mul3A_192, %select_n3A_199 : vector<16xf32>
        %swap3A_286 = arith.index_cast %mul3A_122 : i32 to index
        %swap3A_287 = tpu.vector_load %arg18[%swap3A_286] {strides = array<i32>} : memref<800xf32, #tpu.memory_space<vmem>>, vector<16xf32>,
        tpu.vector_store %arg18[%swap3A_286], %mul3A_285 {strides = array<i32>} : memref<800xf32, #tpu.memory_space<vmem>>, vector<16xf32>,
        %mul3A_288 = arith.mulf %sub3A, %select_n3A_199 : vector<16xf32>
        %swap3A_289 = arith.index_cast %mul3A_122 : i32 to index
        %swap3A_290 = tpu.vector_load %arg19[%swap3A_289] {strides = array<i32>} : memref<800xf32, #tpu.memory_space<vmem>>, vector<16xf32>,
        tpu.vector_store %arg19[%swap3A_289], %mul3A_288 {strides = array<i32>} : memref<800xf32, #tpu.memory_space<vmem>>, vector<16xf32>,
        %jit3A_291 = arith.constant 1.000000e+00 : f32
        %broadcast_in_dim3A_292 = vector.broadcast %jit3A_291 : f32 to vector<16xf32>
        %select_n3A_293 = arith.select %and3A_284, %broadcast_in_dim3A_292, %scan3A_116 : vector<16xi1>, vector<16xf32>
        %mul3A_294 = arith.constant 2 : i32
        %mul3A_295 = arith.muli %scan3A_115, %mul3A_294 : i32
        %add3A_296 = arith.constant 1 : i32
        %add3A_297 = arith.addi %mul3A_295, %add3A_296 : i32
        %mul3A_298 = arith.constant 16 : i32
        %mul3A_299 = arith.muli %add3A_297, %mul3A_298 : i32
        %get3A_300 = arith.index_cast %mul3A_299 : i32 to index
        %get3A_301 = tpu.vector_load %arg12[%get3A_300] {strides = array<i32>} : memref<800xi32, #tpu.memory_space<vmem>>, vector<16xi32>,
        %get3A_302 = arith.index_cast %mul3A_299 : i32 to index
        %get3A_303 = tpu.vector_load %arg13[%get3A_302] {strides = array<i32>} : memref<800xi32, #tpu.memory_space<vmem>>, vector<16xi32>,
        %gather3A_304 = tpu.vector_load_idx %arg11[%get3A_303] : memref<100000xf32, #tpu.memory_space<vmem>>[vector<16xi32>], vector<16xf32>,
        %gather3A_305 = tpu.vector_load_idx %arg11[%get3A_301] : memref<100000xf32, #tpu.memory_space<vmem>>[vector<16xi32>], vector<16xf32>,
        %sub3A_306 = arith.subf %gather3A_304, %gather3A_305 : vector<16xf32>
        %get3A_307 = arith.index_cast %mul3A_299 : i32 to index
        %get3A_308 = tpu.vector_load %arg16[%get3A_307] {strides = array<i32>} : memref<800xf32, #tpu.memory_space<vmem>>, vector<16xf32>,
        %get3A_309 = arith.index_cast %mul3A_299 : i32 to index
        %get3A_310 = tpu.vector_load %arg17[%get3A_309] {strides = array<i32>} : memref<800xf32, #tpu.memory_space<vmem>>, vector<16xf32>,
        %abs3A_311 = math.absf %get3A_310 : vector<16xf32>
        %get3A_312 = arith.index_cast %mul3A_299 : i32 to index
        %get3A_313 = tpu.vector_load %arg14[%get3A_312] {strides = array<i32>} : memref<800xf32, #tpu.memory_space<vmem>>, vector<16xf32>,
        %add3A_314 = arith.constant 9.99999997E-7 : f32
        %add3A_315 = vector.broadcast %add3A_314 : f32 to vector<16xf32>
        %add3A_316 = arith.addf %get3A_313, %add3A_315 : vector<16xf32>
        %bitcast3A_317 = vector.bitcast %add3A_316 : vector<16xf32> to vector<16xi32>
        %and3A_318 = arith.constant 2147483647 : i32
        %and3A_319 = vector.broadcast %and3A_318 : i32 to vector<16xi32>
        %and3A_320 = arith.andi %bitcast3A_317, %and3A_319 : vector<16xi32>
        %shift_right_logical3A_321 = arith.constant 23 : i32
        %shift_right_logical3A_322 = vector.broadcast %shift_right_logical3A_321 : i32 to vector<16xi32>
        %shift_right_logical3A_323 = arith.shrui %and3A_320, %shift_right_logical3A_322 : vector<16xi32>
        %sub3A_324 = arith.constant 127 : i32
        %sub3A_325 = vector.broadcast %sub3A_324 : i32 to vector<16xi32>
        %sub3A_326 = arith.subi %shift_right_logical3A_323, %sub3A_325 : vector<16xi32>
        %and3A_327 = arith.constant 8388607 : i32
        %and3A_328 = vector.broadcast %and3A_327 : i32 to vector<16xi32>
        %and3A_329 = arith.andi %and3A_320, %and3A_328 : vector<16xi32>
        %or3A_330 = arith.constant 1065353216 : i32
        %or3A_331 = vector.broadcast %or3A_330 : i32 to vector<16xi32>
        %or3A_332 = arith.ori %and3A_329, %or3A_331 : vector<16xi32>
        %bitcast3A_333 = vector.bitcast %or3A_332 : vector<16xi32> to vector<16xf32>
        %ge3A_334 = arith.constant 1.41421354 : f32
        %ge3A_335 = vector.broadcast %ge3A_334 : f32 to vector<16xf32>
        %ge3A_336 = arith.cmpf oge, %bitcast3A_333, %ge3A_335 : vector<16xf32>
        %mul3A_337 = arith.constant 5.000000e-01 : f32
        %mul3A_338 = vector.broadcast %mul3A_337 : f32 to vector<16xf32>
        %mul3A_339 = arith.mulf %bitcast3A_333, %mul3A_338 : vector<16xf32>
        %select_n3A_340 = arith.select %ge3A_336, %mul3A_339, %bitcast3A_333 : vector<16xi1>, vector<16xf32>
        %convert_element_type3A_341 = arith.sitofp %sub3A_326 : vector<16xi32> to vector<16xf32>
        %jit3A_342 = arith.constant 1.000000e+00 : f32
        %jit3A_343 = arith.constant 0.000000e+00 : f32
        %broadcast_in_dim3A_344 = vector.broadcast %jit3A_342 : f32 to vector<16xf32>
        %broadcast_in_dim3A_345 = vector.broadcast %jit3A_343 : f32 to vector<16xf32>
        %select_n3A_346 = arith.select %ge3A_336, %broadcast_in_dim3A_344, %broadcast_in_dim3A_345 : vector<16xi1>, vector<16xf32>
        %add3A_347 = arith.addf %convert_element_type3A_341, %select_n3A_346 : vector<16xf32>
        %sub3A_348 = arith.constant 1.000000e+00 : f32
        %sub3A_349 = vector.broadcast %sub3A_348 : f32 to vector<16xf32>
        %sub3A_350 = arith.subf %select_n3A_340, %sub3A_349 : vector<16xf32>
        %mul3A_351 = arith.constant 0.252715707 : f32
        %mul3A_352 = vector.broadcast %mul3A_351 : f32 to vector<16xf32>
        %mul3A_353 = arith.mulf %mul3A_352, %sub3A_350 : vector<16xf32>
        %add3A_354 = arith.constant -0.38679567 : f32
        %add3A_355 = vector.broadcast %add3A_354 : f32 to vector<16xf32>
        %add3A_356 = arith.addf %mul3A_353, %add3A_355 : vector<16xf32>
        %mul3A_357 = arith.mulf %add3A_356, %sub3A_350 : vector<16xf32>
        %add3A_358 = arith.constant 0.48478362 : f32
        %add3A_359 = vector.broadcast %add3A_358 : f32 to vector<16xf32>
        %add3A_360 = arith.addf %mul3A_357, %add3A_359 : vector<16xf32>
        %mul3A_361 = arith.mulf %add3A_360, %sub3A_350 : vector<16xf32>
        %add3A_362 = arith.constant -0.720775843 : f32
        %add3A_363 = vector.broadcast %add3A_362 : f32 to vector<16xf32>
        %add3A_364 = arith.addf %mul3A_361, %add3A_363 : vector<16xf32>
        %mul3A_365 = arith.mulf %add3A_364, %sub3A_350 : vector<16xf32>
        %add3A_366 = arith.constant 1.44265926 : f32
        %add3A_367 = vector.broadcast %add3A_366 : f32 to vector<16xf32>
        %add3A_368 = arith.addf %mul3A_365, %add3A_367 : vector<16xf32>
        %mul3A_369 = arith.mulf %sub3A_350, %add3A_368 : vector<16xf32>
        %add3A_370 = arith.addf %add3A_347, %mul3A_369 : vector<16xf32>
        %mul3A_371 = arith.constant 1.28370857 : f32
        %mul3A_372 = vector.broadcast %mul3A_371 : f32 to vector<16xf32>
        %mul3A_373 = arith.mulf %add3A_370, %mul3A_372 : vector<16xf32>
        %exp3A_374 = math.exp %mul3A_373 : vector<16xf32>
        %bitcast3A_375 = vector.bitcast %exp3A_374 : vector<16xf32> to vector<16xi32>
        %and3A_376 = arith.constant -2147483648 : i32
        %and3A_377 = vector.broadcast %and3A_376 : i32 to vector<16xi32>
        %and3A_378 = arith.andi %bitcast3A_317, %and3A_377 : vector<16xi32>
        %or3A_379 = arith.ori %bitcast3A_375, %and3A_378 : vector<16xi32>
        %bitcast3A_380 = vector.bitcast %or3A_379 : vector<16xi32> to vector<16xf32>
        %mul3A_381 = arith.mulf %bitcast3A_380, %abs3A_311 : vector<16xf32>
        %eq3A_382 = arith.constant 0.000000e+00 : f32
        %eq3A_383 = vector.broadcast %eq3A_382 : f32 to vector<16xf32>
        %eq3A_384 = arith.cmpf oeq, %get3A_308, %eq3A_383 : vector<16xf32>
        %jit3A_385 = arith.constant 1.000000e+00 : f32
        %jit3A_386 = arith.constant 0.000000e+00 : f32
        %broadcast_in_dim3A_387 = vector.broadcast %jit3A_385 : f32 to vector<16xf32>
        %broadcast_in_dim3A_388 = vector.broadcast %jit3A_386 : f32 to vector<16xf32>
        %select_n3A_389 = arith.select %eq3A_384, %broadcast_in_dim3A_387, %broadcast_in_dim3A_388 : vector<16xi1>, vector<16xf32>
        %get3A_390 = arith.index_cast %mul3A_299 : i32 to index
        %get3A_391 = tpu.vector_load %arg15[%get3A_390] {strides = array<i32>} : memref<800xf32, #tpu.memory_space<vmem>>, vector<16xf32>,
        %bitcast3A_392 = vector.bitcast %get3A_391 : vector<16xf32> to vector<16xi32>
        %and3A_393 = arith.constant 2147483647 : i32
        %and3A_394 = vector.broadcast %and3A_393 : i32 to vector<16xi32>
        %and3A_395 = arith.andi %bitcast3A_392, %and3A_394 : vector<16xi32>
        %shift_right_logical3A_396 = arith.constant 23 : i32
        %shift_right_logical3A_397 = vector.broadcast %shift_right_logical3A_396 : i32 to vector<16xi32>
        %shift_right_logical3A_398 = arith.shrui %and3A_395, %shift_right_logical3A_397 : vector<16xi32>
        %sub3A_399 = arith.constant 127 : i32
        %sub3A_400 = vector.broadcast %sub3A_399 : i32 to vector<16xi32>
        %sub3A_401 = arith.subi %shift_right_logical3A_398, %sub3A_400 : vector<16xi32>
        %and3A_402 = arith.constant 8388607 : i32
        %and3A_403 = vector.broadcast %and3A_402 : i32 to vector<16xi32>
        %and3A_404 = arith.andi %and3A_395, %and3A_403 : vector<16xi32>
        %or3A_405 = arith.constant 1065353216 : i32
        %or3A_406 = vector.broadcast %or3A_405 : i32 to vector<16xi32>
        %or3A_407 = arith.ori %and3A_404, %or3A_406 : vector<16xi32>
        %bitcast3A_408 = vector.bitcast %or3A_407 : vector<16xi32> to vector<16xf32>
        %ge3A_409 = arith.constant 1.41421354 : f32
        %ge3A_410 = vector.broadcast %ge3A_409 : f32 to vector<16xf32>
        %ge3A_411 = arith.cmpf oge, %bitcast3A_408, %ge3A_410 : vector<16xf32>
        %mul3A_412 = arith.constant 5.000000e-01 : f32
        %mul3A_413 = vector.broadcast %mul3A_412 : f32 to vector<16xf32>
        %mul3A_414 = arith.mulf %bitcast3A_408, %mul3A_413 : vector<16xf32>
        %select_n3A_415 = arith.select %ge3A_411, %mul3A_414, %bitcast3A_408 : vector<16xi1>, vector<16xf32>
        %convert_element_type3A_416 = arith.sitofp %sub3A_401 : vector<16xi32> to vector<16xf32>
        %jit3A_417 = arith.constant 1.000000e+00 : f32
        %jit3A_418 = arith.constant 0.000000e+00 : f32
        %broadcast_in_dim3A_419 = vector.broadcast %jit3A_417 : f32 to vector<16xf32>
        %broadcast_in_dim3A_420 = vector.broadcast %jit3A_418 : f32 to vector<16xf32>
        %select_n3A_421 = arith.select %ge3A_411, %broadcast_in_dim3A_419, %broadcast_in_dim3A_420 : vector<16xi1>, vector<16xf32>
        %add3A_422 = arith.addf %convert_element_type3A_416, %select_n3A_421 : vector<16xf32>
        %sub3A_423 = arith.constant 1.000000e+00 : f32
        %sub3A_424 = vector.broadcast %sub3A_423 : f32 to vector<16xf32>
        %sub3A_425 = arith.subf %select_n3A_415, %sub3A_424 : vector<16xf32>
        %mul3A_426 = arith.constant 0.252715707 : f32
        %mul3A_427 = vector.broadcast %mul3A_426 : f32 to vector<16xf32>
        %mul3A_428 = arith.mulf %mul3A_427, %sub3A_425 : vector<16xf32>
        %add3A_429 = arith.constant -0.38679567 : f32
        %add3A_430 = vector.broadcast %add3A_429 : f32 to vector<16xf32>
        %add3A_431 = arith.addf %mul3A_428, %add3A_430 : vector<16xf32>
        %mul3A_432 = arith.mulf %add3A_431, %sub3A_425 : vector<16xf32>
        %add3A_433 = arith.constant 0.48478362 : f32
        %add3A_434 = vector.broadcast %add3A_433 : f32 to vector<16xf32>
        %add3A_435 = arith.addf %mul3A_432, %add3A_434 : vector<16xf32>
        %mul3A_436 = arith.mulf %add3A_435, %sub3A_425 : vector<16xf32>
        %add3A_437 = arith.constant -0.720775843 : f32
        %add3A_438 = vector.broadcast %add3A_437 : f32 to vector<16xf32>
        %add3A_439 = arith.addf %mul3A_436, %add3A_438 : vector<16xf32>
        %mul3A_440 = arith.mulf %add3A_439, %sub3A_425 : vector<16xf32>
        %add3A_441 = arith.constant 1.44265926 : f32
        %add3A_442 = vector.broadcast %add3A_441 : f32 to vector<16xf32>
        %add3A_443 = arith.addf %mul3A_440, %add3A_442 : vector<16xf32>
        %mul3A_444 = arith.mulf %sub3A_425, %add3A_443 : vector<16xf32>
        %add3A_445 = arith.addf %add3A_422, %mul3A_444 : vector<16xf32>
        %mul3A_446 = arith.constant 1.28370857 : f32
        %mul3A_447 = vector.broadcast %mul3A_446 : f32 to vector<16xf32>
        %mul3A_448 = arith.mulf %add3A_445, %mul3A_447 : vector<16xf32>
        %exp3A_449 = math.exp %mul3A_448 : vector<16xf32>
        %bitcast3A_450 = vector.bitcast %exp3A_449 : vector<16xf32> to vector<16xi32>
        %and3A_451 = arith.constant -2147483648 : i32
        %and3A_452 = vector.broadcast %and3A_451 : i32 to vector<16xi32>
        %and3A_453 = arith.andi %bitcast3A_392, %and3A_452 : vector<16xi32>
        %or3A_454 = arith.ori %bitcast3A_450, %and3A_453 : vector<16xi32>
        %bitcast3A_455 = vector.bitcast %or3A_454 : vector<16xi32> to vector<16xf32>
        %mul3A_456 = arith.mulf %bitcast3A_455, %abs3A_311 : vector<16xf32>
        %sub3A_457 = arith.subf %sub3A_306, %mul3A_456 : vector<16xf32>
        %abs3A_458 = math.absf %sub3A_457 : vector<16xf32>
        %abs3A_459 = math.absf %sub3A_306 : vector<16xf32>
        %gt3A_460 = arith.constant 0.00999999977 : f32
        %gt3A_461 = vector.broadcast %gt3A_460 : f32 to vector<16xf32>
        %gt3A_462 = arith.cmpf ogt, %abs3A_458, %gt3A_461 : vector<16xf32>
        %add3A_463 = arith.constant 0.00999999977 : f32
        %add3A_464 = vector.broadcast %add3A_463 : f32 to vector<16xf32>
        %add3A_465 = arith.addf %abs3A_459, %add3A_464 : vector<16xf32>
        %mul3A_466 = arith.constant 0.00999999977 : f32
        %mul3A_467 = vector.broadcast %mul3A_466 : f32 to vector<16xf32>
        %mul3A_468 = arith.mulf %mul3A_467, %add3A_465 : vector<16xf32>
        %gt3A_469 = arith.cmpf ogt, %abs3A_458, %mul3A_468 : vector<16xf32>
        %and3A_470 = arith.andi %gt3A_462, %gt3A_469 : vector<16xi1>
        %gt3A_471 = arith.constant 1.000000e-03 : f32
        %gt3A_472 = vector.broadcast %gt3A_471 : f32 to vector<16xf32>
        %gt3A_473 = arith.cmpf ogt, %abs3A_459, %gt3A_472 : vector<16xf32>
        %and3A_474 = arith.andi %and3A_470, %gt3A_473 : vector<16xi1>
        %and3A_475 = arith.andi %and3A_474, %eq3A_384 : vector<16xi1>
        %mul3A_476 = arith.mulf %mul3A_381, %select_n3A_389 : vector<16xf32>
        %swap3A_477 = arith.index_cast %mul3A_299 : i32 to index
        %swap3A_478 = tpu.vector_load %arg18[%swap3A_477] {strides = array<i32>} : memref<800xf32, #tpu.memory_space<vmem>>, vector<16xf32>,
        tpu.vector_store %arg18[%swap3A_477], %mul3A_476 {strides = array<i32>} : memref<800xf32, #tpu.memory_space<vmem>>, vector<16xf32>,
        %mul3A_479 = arith.mulf %sub3A_306, %select_n3A_389 : vector<16xf32>
        %swap3A_480 = arith.index_cast %mul3A_299 : i32 to index
        %swap3A_481 = tpu.vector_load %arg19[%swap3A_480] {strides = array<i32>} : memref<800xf32, #tpu.memory_space<vmem>>, vector<16xf32>,
        tpu.vector_store %arg19[%swap3A_480], %mul3A_479 {strides = array<i32>} : memref<800xf32, #tpu.memory_space<vmem>>, vector<16xf32>,
        %jit3A_482 = arith.constant 1.000000e+00 : f32
        %broadcast_in_dim3A_483 = vector.broadcast %jit3A_482 : f32 to vector<16xf32>
        %select_n3A_484 = arith.select %and3A_475, %broadcast_in_dim3A_483, %select_n3A_293 : vector<16xi1>, vector<16xf32>
        scf.yield %select_n3A_484 : vector<16xf32>
      }
      %scan3A_76 = arith.constant 25 : i32
      %dma_start3A_77 = tpu.memref_slice %arg8[%add3A_38] : memref<6400000xf32, #tpu.memory_space<hbm>> -> memref<800xf32, #tpu.memory_space<hbm>>
      %dma_start3A_78 = tpu.memref_slice %arg8[%add3A_38] : memref<6400000xf32, #tpu.memory_space<hbm>> -> memref<800xf32, #tpu.memory_space<hbm>>
      tpu.enqueue_dma source(%arg18 : memref<800xf32, #tpu.memory_space<vmem>>) target(%dma_start3A_78 : memref<800xf32, #tpu.memory_space<hbm>>) target_semaphore(%arg31 : memref<!tpu.dma_semaphore, #tpu.memory_space<semaphore_mem>>)
      %dma_start3A_79 = tpu.memref_slice %arg9[%add3A_38] : memref<6400000xf32, #tpu.memory_space<hbm>> -> memref<800xf32, #tpu.memory_space<hbm>>
      %dma_start3A_80 = tpu.memref_slice %arg9[%add3A_38] : memref<6400000xf32, #tpu.memory_space<hbm>> -> memref<800xf32, #tpu.memory_space<hbm>>
      tpu.enqueue_dma source(%arg19 : memref<800xf32, #tpu.memory_space<vmem>>) target(%dma_start3A_80 : memref<800xf32, #tpu.memory_space<hbm>>) target_semaphore(%arg31 : memref<!tpu.dma_semaphore, #tpu.memory_space<semaphore_mem>>)
      %ne3A_81 = arith.constant 124 : i32
      %ne3A_82 = arith.cmpi ne, %scan3A_32, %ne3A_81 : i32
      %convert_element_type3A_83 = arith.extui %ne3A_82 : i1 to i32
      %cond3A_84 = arith.constant 0 : i32
      %cond3A_85 = arith.cmpi ne, %convert_element_type3A_83, %cond3A_84 : i32
      scf.if %cond3A_85 {
        %add3A_115 = arith.constant 800 : i32
        %add3A_116 = arith.addi %add3A_40, %add3A_115 : i32
        %add3A_117 = arith.constant 6400000 : i32
        %add3A_118 = arith.addi %add3A_117, %add3A_116 : i32
        %dma_start3A_119 = tpu.memref_slice %arg3[%add3A_116] : memref<12800000xi32, #tpu.memory_space<hbm>> -> memref<800xi32, #tpu.memory_space<hbm>>
        %dma_start3A_120 = tpu.memref_slice %arg3[%add3A_116] : memref<12800000xi32, #tpu.memory_space<hbm>> -> memref<800xi32, #tpu.memory_space<hbm>>
        tpu.enqueue_dma source(%dma_start3A_120 : memref<800xi32, #tpu.memory_space<hbm>>) target(%arg12 : memref<800xi32, #tpu.memory_space<vmem>>) target_semaphore(%arg29 : memref<!tpu.dma_semaphore, #tpu.memory_space<semaphore_mem>>)
        %dma_start3A_121 = tpu.memref_slice %arg3[%add3A_118] : memref<12800000xi32, #tpu.memory_space<hbm>> -> memref<800xi32, #tpu.memory_space<hbm>>
        %dma_start3A_122 = tpu.memref_slice %arg3[%add3A_118] : memref<12800000xi32, #tpu.memory_space<hbm>> -> memref<800xi32, #tpu.memory_space<hbm>>
        tpu.enqueue_dma source(%dma_start3A_122 : memref<800xi32, #tpu.memory_space<hbm>>) target(%arg13 : memref<800xi32, #tpu.memory_space<vmem>>) target_semaphore(%arg29 : memref<!tpu.dma_semaphore, #tpu.memory_space<semaphore_mem>>)
        %dma_start3A_123 = tpu.memref_slice %arg2[%add3A_116] : memref<6400000xf32, #tpu.memory_space<hbm>> -> memref<800xf32, #tpu.memory_space<hbm>>
        %dma_start3A_124 = tpu.memref_slice %arg2[%add3A_116] : memref<6400000xf32, #tpu.memory_space<hbm>> -> memref<800xf32, #tpu.memory_space<hbm>>
        tpu.enqueue_dma source(%dma_start3A_124 : memref<800xf32, #tpu.memory_space<hbm>>) target(%arg14 : memref<800xf32, #tpu.memory_space<vmem>>) target_semaphore(%arg29 : memref<!tpu.dma_semaphore, #tpu.memory_space<semaphore_mem>>)
        %dma_start3A_125 = tpu.memref_slice %arg7[%add3A_116] : memref<6400000xf32, #tpu.memory_space<hbm>> -> memref<800xf32, #tpu.memory_space<hbm>>
        %dma_start3A_126 = tpu.memref_slice %arg7[%add3A_116] : memref<6400000xf32, #tpu.memory_space<hbm>> -> memref<800xf32, #tpu.memory_space<hbm>>
        tpu.enqueue_dma source(%dma_start3A_126 : memref<800xf32, #tpu.memory_space<hbm>>) target(%arg15 : memref<800xf32, #tpu.memory_space<vmem>>) target_semaphore(%arg29 : memref<!tpu.dma_semaphore, #tpu.memory_space<semaphore_mem>>)
        %dma_start3A_127 = tpu.memref_slice %arg4[%add3A_116] : memref<6400000xf32, #tpu.memory_space<hbm>> -> memref<800xf32, #tpu.memory_space<hbm>>
        %dma_start3A_128 = tpu.memref_slice %arg4[%add3A_116] : memref<6400000xf32, #tpu.memory_space<hbm>> -> memref<800xf32, #tpu.memory_space<hbm>>
        tpu.enqueue_dma source(%dma_start3A_128 : memref<800xf32, #tpu.memory_space<hbm>>) target(%arg16 : memref<800xf32, #tpu.memory_space<vmem>>) target_semaphore(%arg29 : memref<!tpu.dma_semaphore, #tpu.memory_space<semaphore_mem>>)
        %dma_start3A_129 = tpu.memref_slice %arg5[%add3A_116] : memref<6400000xf32, #tpu.memory_space<hbm>> -> memref<800xf32, #tpu.memory_space<hbm>>
        %dma_start3A_130 = tpu.memref_slice %arg5[%add3A_116] : memref<6400000xf32, #tpu.memory_space<hbm>> -> memref<800xf32, #tpu.memory_space<hbm>>
        tpu.enqueue_dma source(%dma_start3A_130 : memref<800xf32, #tpu.memory_space<hbm>>) target(%arg17 : memref<800xf32, #tpu.memory_space<vmem>>) target_semaphore(%arg29 : memref<!tpu.dma_semaphore, #tpu.memory_space<semaphore_mem>>)
      } else {
      }
      %add3A_86 = arith.constant 6400000 : i32
      %add3A_87 = arith.addi %add3A_86, %add3A_40 : i32
      %dma_wait3A_88 = tpu.memref_slice %arg3[%add3A_40] : memref<12800000xi32, #tpu.memory_space<hbm>> -> memref<800xi32, #tpu.memory_space<hbm>>
      %dma_wait3A_89 = tpu.memref_slice %arg3[%add3A_40] : memref<12800000xi32, #tpu.memory_space<hbm>> -> memref<800xi32, #tpu.memory_space<hbm>>
      tpu.wait_dma2 semaphore(%arg30 : memref<!tpu.dma_semaphore, #tpu.memory_space<semaphore_mem>>) src(%dma_wait3A_89 : memref<800xi32, #tpu.memory_space<hbm>>) dst(%arg20 : memref<800xi32, #tpu.memory_space<vmem>>)
      %dma_wait3A_90 = tpu.memref_slice %arg3[%add3A_87] : memref<12800000xi32, #tpu.memory_space<hbm>> -> memref<800xi32, #tpu.memory_space<hbm>>
      %dma_wait3A_91 = tpu.memref_slice %arg3[%add3A_87] : memref<12800000xi32, #tpu.memory_space<hbm>> -> memref<800xi32, #tpu.memory_space<hbm>>
      tpu.wait_dma2 semaphore(%arg30 : memref<!tpu.dma_semaphore, #tpu.memory_space<semaphore_mem>>) src(%dma_wait3A_91 : memref<800xi32, #tpu.memory_space<hbm>>) dst(%arg21 : memref<800xi32, #tpu.memory_space<vmem>>)
      %dma_wait3A_92 = tpu.memref_slice %arg2[%add3A_40] : memref<6400000xf32, #tpu.memory_space<hbm>> -> memref<800xf32, #tpu.memory_space<hbm>>
      %dma_wait3A_93 = tpu.memref_slice %arg2[%add3A_40] : memref<6400000xf32, #tpu.memory_space<hbm>> -> memref<800xf32, #tpu.memory_space<hbm>>
      tpu.wait_dma2 semaphore(%arg30 : memref<!tpu.dma_semaphore, #tpu.memory_space<semaphore_mem>>) src(%dma_wait3A_93 : memref<800xf32, #tpu.memory_space<hbm>>) dst(%arg22 : memref<800xf32, #tpu.memory_space<vmem>>)
      %dma_wait3A_94 = tpu.memref_slice %arg7[%add3A_40] : memref<6400000xf32, #tpu.memory_space<hbm>> -> memref<800xf32, #tpu.memory_space<hbm>>
      %dma_wait3A_95 = tpu.memref_slice %arg7[%add3A_40] : memref<6400000xf32, #tpu.memory_space<hbm>> -> memref<800xf32, #tpu.memory_space<hbm>>
      tpu.wait_dma2 semaphore(%arg30 : memref<!tpu.dma_semaphore, #tpu.memory_space<semaphore_mem>>) src(%dma_wait3A_95 : memref<800xf32, #tpu.memory_space<hbm>>) dst(%arg23 : memref<800xf32, #tpu.memory_space<vmem>>)
      %dma_wait3A_96 = tpu.memref_slice %arg4[%add3A_40] : memref<6400000xf32, #tpu.memory_space<hbm>> -> memref<800xf32, #tpu.memory_space<hbm>>
      %dma_wait3A_97 = tpu.memref_slice %arg4[%add3A_40] : memref<6400000xf32, #tpu.memory_space<hbm>> -> memref<800xf32, #tpu.memory_space<hbm>>
      tpu.wait_dma2 semaphore(%arg30 : memref<!tpu.dma_semaphore, #tpu.memory_space<semaphore_mem>>) src(%dma_wait3A_97 : memref<800xf32, #tpu.memory_space<hbm>>) dst(%arg24 : memref<800xf32, #tpu.memory_space<vmem>>)
      %dma_wait3A_98 = tpu.memref_slice %arg5[%add3A_40] : memref<6400000xf32, #tpu.memory_space<hbm>> -> memref<800xf32, #tpu.memory_space<hbm>>
      %dma_wait3A_99 = tpu.memref_slice %arg5[%add3A_40] : memref<6400000xf32, #tpu.memory_space<hbm>> -> memref<800xf32, #tpu.memory_space<hbm>>
      tpu.wait_dma2 semaphore(%arg30 : memref<!tpu.dma_semaphore, #tpu.memory_space<semaphore_mem>>) src(%dma_wait3A_99 : memref<800xf32, #tpu.memory_space<hbm>>) dst(%arg25 : memref<800xf32, #tpu.memory_space<vmem>>)
      %ne3A_100 = arith.constant 0 : i32
      %ne3A_101 = arith.cmpi ne, %scan3A_32, %ne3A_100 : i32
      %convert_element_type3A_102 = arith.extui %ne3A_101 : i1 to i32
      %cond3A_103 = arith.constant 0 : i32
      %cond3A_104 = arith.cmpi ne, %convert_element_type3A_102, %cond3A_103 : i32
      scf.if %cond3A_104 {
        %dma_wait3A_115 = tpu.memref_slice %arg8[%add3A_40] : memref<6400000xf32, #tpu.memory_space<hbm>> -> memref<800xf32, #tpu.memory_space<hbm>>
        %dma_wait3A_116 = tpu.memref_slice %arg8[%add3A_40] : memref<6400000xf32, #tpu.memory_space<hbm>> -> memref<800xf32, #tpu.memory_space<hbm>>
        tpu.wait_dma2 semaphore(%arg32 : memref<!tpu.dma_semaphore, #tpu.memory_space<semaphore_mem>>) src(%arg26 : memref<800xf32, #tpu.memory_space<vmem>>) dst(%dma_wait3A_116 : memref<800xf32, #tpu.memory_space<hbm>>)
        %dma_wait3A_117 = tpu.memref_slice %arg9[%add3A_40] : memref<6400000xf32, #tpu.memory_space<hbm>> -> memref<800xf32, #tpu.memory_space<hbm>>
        %dma_wait3A_118 = tpu.memref_slice %arg9[%add3A_40] : memref<6400000xf32, #tpu.memory_space<hbm>> -> memref<800xf32, #tpu.memory_space<hbm>>
        tpu.wait_dma2 semaphore(%arg32 : memref<!tpu.dma_semaphore, #tpu.memory_space<semaphore_mem>>) src(%arg27 : memref<800xf32, #tpu.memory_space<vmem>>) dst(%dma_wait3A_118 : memref<800xf32, #tpu.memory_space<hbm>>)
      } else {
      }
      %scan3A_105 = arith.constant 0 : i32
      %scan3A_106 = arith.constant 25 : i32
      %scan3A_107 = arith.addi %scan3A_105, %scan3A_106 : i32
      %scan3A_108 = arith.constant 1 : i32
      %scan3A_109 = scf.for %scan3A_115 = %scan3A_105 to %scan3A_107 step %scan3A_108 iter_args(%scan3A_116 = %scan3A_75) -> (vector<16xf32>)  : i32 {
        %mul3A_117 = arith.constant 2 : i32
        %mul3A_118 = arith.muli %scan3A_115, %mul3A_117 : i32
        %add3A_119 = arith.constant 0 : i32
        %add3A_120 = arith.addi %mul3A_118, %add3A_119 : i32
        %mul3A_121 = arith.constant 16 : i32
        %mul3A_122 = arith.muli %add3A_120, %mul3A_121 : i32
        %get3A = arith.index_cast %mul3A_122 : i32 to index
        %get3A_123 = tpu.vector_load %arg20[%get3A] {strides = array<i32>} : memref<800xi32, #tpu.memory_space<vmem>>, vector<16xi32>,
        %get3A_124 = arith.index_cast %mul3A_122 : i32 to index
        %get3A_125 = tpu.vector_load %arg21[%get3A_124] {strides = array<i32>} : memref<800xi32, #tpu.memory_space<vmem>>, vector<16xi32>,
        %gather3A = tpu.vector_load_idx %arg11[%get3A_125] : memref<100000xf32, #tpu.memory_space<vmem>>[vector<16xi32>], vector<16xf32>,
        %gather3A_126 = tpu.vector_load_idx %arg11[%get3A_123] : memref<100000xf32, #tpu.memory_space<vmem>>[vector<16xi32>], vector<16xf32>,
        %sub3A = arith.subf %gather3A, %gather3A_126 : vector<16xf32>
        %get3A_127 = arith.index_cast %mul3A_122 : i32 to index
        %get3A_128 = tpu.vector_load %arg24[%get3A_127] {strides = array<i32>} : memref<800xf32, #tpu.memory_space<vmem>>, vector<16xf32>,
        %get3A_129 = arith.index_cast %mul3A_122 : i32 to index
        %get3A_130 = tpu.vector_load %arg25[%get3A_129] {strides = array<i32>} : memref<800xf32, #tpu.memory_space<vmem>>, vector<16xf32>,
        %abs3A = math.absf %get3A_130 : vector<16xf32>
        %get3A_131 = arith.index_cast %mul3A_122 : i32 to index
        %get3A_132 = tpu.vector_load %arg22[%get3A_131] {strides = array<i32>} : memref<800xf32, #tpu.memory_space<vmem>>, vector<16xf32>,
        %add3A_133 = arith.constant 9.99999997E-7 : f32
        %add3A_134 = vector.broadcast %add3A_133 : f32 to vector<16xf32>
        %add3A_135 = arith.addf %get3A_132, %add3A_134 : vector<16xf32>
        %bitcast3A = vector.bitcast %add3A_135 : vector<16xf32> to vector<16xi32>
        %and3A = arith.constant 2147483647 : i32
        %and3A_136 = vector.broadcast %and3A : i32 to vector<16xi32>
        %and3A_137 = arith.andi %bitcast3A, %and3A_136 : vector<16xi32>
        %shift_right_logical3A = arith.constant 23 : i32
        %shift_right_logical3A_138 = vector.broadcast %shift_right_logical3A : i32 to vector<16xi32>
        %shift_right_logical3A_139 = arith.shrui %and3A_137, %shift_right_logical3A_138 : vector<16xi32>
        %sub3A_140 = arith.constant 127 : i32
        %sub3A_141 = vector.broadcast %sub3A_140 : i32 to vector<16xi32>
        %sub3A_142 = arith.subi %shift_right_logical3A_139, %sub3A_141 : vector<16xi32>
        %and3A_143 = arith.constant 8388607 : i32
        %and3A_144 = vector.broadcast %and3A_143 : i32 to vector<16xi32>
        %and3A_145 = arith.andi %and3A_137, %and3A_144 : vector<16xi32>
        %or3A = arith.constant 1065353216 : i32
        %or3A_146 = vector.broadcast %or3A : i32 to vector<16xi32>
        %or3A_147 = arith.ori %and3A_145, %or3A_146 : vector<16xi32>
        %bitcast3A_148 = vector.bitcast %or3A_147 : vector<16xi32> to vector<16xf32>
        %ge3A = arith.constant 1.41421354 : f32
        %ge3A_149 = vector.broadcast %ge3A : f32 to vector<16xf32>
        %ge3A_150 = arith.cmpf oge, %bitcast3A_148, %ge3A_149 : vector<16xf32>
        %mul3A_151 = arith.constant 5.000000e-01 : f32
        %mul3A_152 = vector.broadcast %mul3A_151 : f32 to vector<16xf32>
        %mul3A_153 = arith.mulf %bitcast3A_148, %mul3A_152 : vector<16xf32>
        %select_n3A = arith.select %ge3A_150, %mul3A_153, %bitcast3A_148 : vector<16xi1>, vector<16xf32>
        %convert_element_type3A_154 = arith.sitofp %sub3A_142 : vector<16xi32> to vector<16xf32>
        %jit3A = arith.constant 1.000000e+00 : f32
        %jit3A_155 = arith.constant 0.000000e+00 : f32
        %broadcast_in_dim3A_156 = vector.broadcast %jit3A : f32 to vector<16xf32>
        %broadcast_in_dim3A_157 = vector.broadcast %jit3A_155 : f32 to vector<16xf32>
        %select_n3A_158 = arith.select %ge3A_150, %broadcast_in_dim3A_156, %broadcast_in_dim3A_157 : vector<16xi1>, vector<16xf32>
        %add3A_159 = arith.addf %convert_element_type3A_154, %select_n3A_158 : vector<16xf32>
        %sub3A_160 = arith.constant 1.000000e+00 : f32
        %sub3A_161 = vector.broadcast %sub3A_160 : f32 to vector<16xf32>
        %sub3A_162 = arith.subf %select_n3A, %sub3A_161 : vector<16xf32>
        %mul3A_163 = arith.constant 0.252715707 : f32
        %mul3A_164 = vector.broadcast %mul3A_163 : f32 to vector<16xf32>
        %mul3A_165 = arith.mulf %mul3A_164, %sub3A_162 : vector<16xf32>
        %add3A_166 = arith.constant -0.38679567 : f32
        %add3A_167 = vector.broadcast %add3A_166 : f32 to vector<16xf32>
        %add3A_168 = arith.addf %mul3A_165, %add3A_167 : vector<16xf32>
        %mul3A_169 = arith.mulf %add3A_168, %sub3A_162 : vector<16xf32>
        %add3A_170 = arith.constant 0.48478362 : f32
        %add3A_171 = vector.broadcast %add3A_170 : f32 to vector<16xf32>
        %add3A_172 = arith.addf %mul3A_169, %add3A_171 : vector<16xf32>
        %mul3A_173 = arith.mulf %add3A_172, %sub3A_162 : vector<16xf32>
        %add3A_174 = arith.constant -0.720775843 : f32
        %add3A_175 = vector.broadcast %add3A_174 : f32 to vector<16xf32>
        %add3A_176 = arith.addf %mul3A_173, %add3A_175 : vector<16xf32>
        %mul3A_177 = arith.mulf %add3A_176, %sub3A_162 : vector<16xf32>
        %add3A_178 = arith.constant 1.44265926 : f32
        %add3A_179 = vector.broadcast %add3A_178 : f32 to vector<16xf32>
        %add3A_180 = arith.addf %mul3A_177, %add3A_179 : vector<16xf32>
        %mul3A_181 = arith.mulf %sub3A_162, %add3A_180 : vector<16xf32>
        %add3A_182 = arith.addf %add3A_159, %mul3A_181 : vector<16xf32>
        %mul3A_183 = arith.constant 1.28370857 : f32
        %mul3A_184 = vector.broadcast %mul3A_183 : f32 to vector<16xf32>
        %mul3A_185 = arith.mulf %add3A_182, %mul3A_184 : vector<16xf32>
        %exp3A = math.exp %mul3A_185 : vector<16xf32>
        %bitcast3A_186 = vector.bitcast %exp3A : vector<16xf32> to vector<16xi32>
        %and3A_187 = arith.constant -2147483648 : i32
        %and3A_188 = vector.broadcast %and3A_187 : i32 to vector<16xi32>
        %and3A_189 = arith.andi %bitcast3A, %and3A_188 : vector<16xi32>
        %or3A_190 = arith.ori %bitcast3A_186, %and3A_189 : vector<16xi32>
        %bitcast3A_191 = vector.bitcast %or3A_190 : vector<16xi32> to vector<16xf32>
        %mul3A_192 = arith.mulf %bitcast3A_191, %abs3A : vector<16xf32>
        %eq3A = arith.constant 0.000000e+00 : f32
        %eq3A_193 = vector.broadcast %eq3A : f32 to vector<16xf32>
        %eq3A_194 = arith.cmpf oeq, %get3A_128, %eq3A_193 : vector<16xf32>
        %jit3A_195 = arith.constant 1.000000e+00 : f32
        %jit3A_196 = arith.constant 0.000000e+00 : f32
        %broadcast_in_dim3A_197 = vector.broadcast %jit3A_195 : f32 to vector<16xf32>
        %broadcast_in_dim3A_198 = vector.broadcast %jit3A_196 : f32 to vector<16xf32>
        %select_n3A_199 = arith.select %eq3A_194, %broadcast_in_dim3A_197, %broadcast_in_dim3A_198 : vector<16xi1>, vector<16xf32>
        %get3A_200 = arith.index_cast %mul3A_122 : i32 to index
        %get3A_201 = tpu.vector_load %arg23[%get3A_200] {strides = array<i32>} : memref<800xf32, #tpu.memory_space<vmem>>, vector<16xf32>,
        %bitcast3A_202 = vector.bitcast %get3A_201 : vector<16xf32> to vector<16xi32>
        %and3A_203 = arith.constant 2147483647 : i32
        %and3A_204 = vector.broadcast %and3A_203 : i32 to vector<16xi32>
        %and3A_205 = arith.andi %bitcast3A_202, %and3A_204 : vector<16xi32>
        %shift_right_logical3A_206 = arith.constant 23 : i32
        %shift_right_logical3A_207 = vector.broadcast %shift_right_logical3A_206 : i32 to vector<16xi32>
        %shift_right_logical3A_208 = arith.shrui %and3A_205, %shift_right_logical3A_207 : vector<16xi32>
        %sub3A_209 = arith.constant 127 : i32
        %sub3A_210 = vector.broadcast %sub3A_209 : i32 to vector<16xi32>
        %sub3A_211 = arith.subi %shift_right_logical3A_208, %sub3A_210 : vector<16xi32>
        %and3A_212 = arith.constant 8388607 : i32
        %and3A_213 = vector.broadcast %and3A_212 : i32 to vector<16xi32>
        %and3A_214 = arith.andi %and3A_205, %and3A_213 : vector<16xi32>
        %or3A_215 = arith.constant 1065353216 : i32
        %or3A_216 = vector.broadcast %or3A_215 : i32 to vector<16xi32>
        %or3A_217 = arith.ori %and3A_214, %or3A_216 : vector<16xi32>
        %bitcast3A_218 = vector.bitcast %or3A_217 : vector<16xi32> to vector<16xf32>
        %ge3A_219 = arith.constant 1.41421354 : f32
        %ge3A_220 = vector.broadcast %ge3A_219 : f32 to vector<16xf32>
        %ge3A_221 = arith.cmpf oge, %bitcast3A_218, %ge3A_220 : vector<16xf32>
        %mul3A_222 = arith.constant 5.000000e-01 : f32
        %mul3A_223 = vector.broadcast %mul3A_222 : f32 to vector<16xf32>
        %mul3A_224 = arith.mulf %bitcast3A_218, %mul3A_223 : vector<16xf32>
        %select_n3A_225 = arith.select %ge3A_221, %mul3A_224, %bitcast3A_218 : vector<16xi1>, vector<16xf32>
        %convert_element_type3A_226 = arith.sitofp %sub3A_211 : vector<16xi32> to vector<16xf32>
        %jit3A_227 = arith.constant 1.000000e+00 : f32
        %jit3A_228 = arith.constant 0.000000e+00 : f32
        %broadcast_in_dim3A_229 = vector.broadcast %jit3A_227 : f32 to vector<16xf32>
        %broadcast_in_dim3A_230 = vector.broadcast %jit3A_228 : f32 to vector<16xf32>
        %select_n3A_231 = arith.select %ge3A_221, %broadcast_in_dim3A_229, %broadcast_in_dim3A_230 : vector<16xi1>, vector<16xf32>
        %add3A_232 = arith.addf %convert_element_type3A_226, %select_n3A_231 : vector<16xf32>
        %sub3A_233 = arith.constant 1.000000e+00 : f32
        %sub3A_234 = vector.broadcast %sub3A_233 : f32 to vector<16xf32>
        %sub3A_235 = arith.subf %select_n3A_225, %sub3A_234 : vector<16xf32>
        %mul3A_236 = arith.constant 0.252715707 : f32
        %mul3A_237 = vector.broadcast %mul3A_236 : f32 to vector<16xf32>
        %mul3A_238 = arith.mulf %mul3A_237, %sub3A_235 : vector<16xf32>
        %add3A_239 = arith.constant -0.38679567 : f32
        %add3A_240 = vector.broadcast %add3A_239 : f32 to vector<16xf32>
        %add3A_241 = arith.addf %mul3A_238, %add3A_240 : vector<16xf32>
        %mul3A_242 = arith.mulf %add3A_241, %sub3A_235 : vector<16xf32>
        %add3A_243 = arith.constant 0.48478362 : f32
        %add3A_244 = vector.broadcast %add3A_243 : f32 to vector<16xf32>
        %add3A_245 = arith.addf %mul3A_242, %add3A_244 : vector<16xf32>
        %mul3A_246 = arith.mulf %add3A_245, %sub3A_235 : vector<16xf32>
        %add3A_247 = arith.constant -0.720775843 : f32
        %add3A_248 = vector.broadcast %add3A_247 : f32 to vector<16xf32>
        %add3A_249 = arith.addf %mul3A_246, %add3A_248 : vector<16xf32>
        %mul3A_250 = arith.mulf %add3A_249, %sub3A_235 : vector<16xf32>
        %add3A_251 = arith.constant 1.44265926 : f32
        %add3A_252 = vector.broadcast %add3A_251 : f32 to vector<16xf32>
        %add3A_253 = arith.addf %mul3A_250, %add3A_252 : vector<16xf32>
        %mul3A_254 = arith.mulf %sub3A_235, %add3A_253 : vector<16xf32>
        %add3A_255 = arith.addf %add3A_232, %mul3A_254 : vector<16xf32>
        %mul3A_256 = arith.constant 1.28370857 : f32
        %mul3A_257 = vector.broadcast %mul3A_256 : f32 to vector<16xf32>
        %mul3A_258 = arith.mulf %add3A_255, %mul3A_257 : vector<16xf32>
        %exp3A_259 = math.exp %mul3A_258 : vector<16xf32>
        %bitcast3A_260 = vector.bitcast %exp3A_259 : vector<16xf32> to vector<16xi32>
        %and3A_261 = arith.constant -2147483648 : i32
        %and3A_262 = vector.broadcast %and3A_261 : i32 to vector<16xi32>
        %and3A_263 = arith.andi %bitcast3A_202, %and3A_262 : vector<16xi32>
        %or3A_264 = arith.ori %bitcast3A_260, %and3A_263 : vector<16xi32>
        %bitcast3A_265 = vector.bitcast %or3A_264 : vector<16xi32> to vector<16xf32>
        %mul3A_266 = arith.mulf %bitcast3A_265, %abs3A : vector<16xf32>
        %sub3A_267 = arith.subf %sub3A, %mul3A_266 : vector<16xf32>
        %abs3A_268 = math.absf %sub3A_267 : vector<16xf32>
        %abs3A_269 = math.absf %sub3A : vector<16xf32>
        %gt3A = arith.constant 0.00999999977 : f32
        %gt3A_270 = vector.broadcast %gt3A : f32 to vector<16xf32>
        %gt3A_271 = arith.cmpf ogt, %abs3A_268, %gt3A_270 : vector<16xf32>
        %add3A_272 = arith.constant 0.00999999977 : f32
        %add3A_273 = vector.broadcast %add3A_272 : f32 to vector<16xf32>
        %add3A_274 = arith.addf %abs3A_269, %add3A_273 : vector<16xf32>
        %mul3A_275 = arith.constant 0.00999999977 : f32
        %mul3A_276 = vector.broadcast %mul3A_275 : f32 to vector<16xf32>
        %mul3A_277 = arith.mulf %mul3A_276, %add3A_274 : vector<16xf32>
        %gt3A_278 = arith.cmpf ogt, %abs3A_268, %mul3A_277 : vector<16xf32>
        %and3A_279 = arith.andi %gt3A_271, %gt3A_278 : vector<16xi1>
        %gt3A_280 = arith.constant 1.000000e-03 : f32
        %gt3A_281 = vector.broadcast %gt3A_280 : f32 to vector<16xf32>
        %gt3A_282 = arith.cmpf ogt, %abs3A_269, %gt3A_281 : vector<16xf32>
        %and3A_283 = arith.andi %and3A_279, %gt3A_282 : vector<16xi1>
        %and3A_284 = arith.andi %and3A_283, %eq3A_194 : vector<16xi1>
        %mul3A_285 = arith.mulf %mul3A_192, %select_n3A_199 : vector<16xf32>
        %swap3A_286 = arith.index_cast %mul3A_122 : i32 to index
        %swap3A_287 = tpu.vector_load %arg26[%swap3A_286] {strides = array<i32>} : memref<800xf32, #tpu.memory_space<vmem>>, vector<16xf32>,
        tpu.vector_store %arg26[%swap3A_286], %mul3A_285 {strides = array<i32>} : memref<800xf32, #tpu.memory_space<vmem>>, vector<16xf32>,
        %mul3A_288 = arith.mulf %sub3A, %select_n3A_199 : vector<16xf32>
        %swap3A_289 = arith.index_cast %mul3A_122 : i32 to index
        %swap3A_290 = tpu.vector_load %arg27[%swap3A_289] {strides = array<i32>} : memref<800xf32, #tpu.memory_space<vmem>>, vector<16xf32>,
        tpu.vector_store %arg27[%swap3A_289], %mul3A_288 {strides = array<i32>} : memref<800xf32, #tpu.memory_space<vmem>>, vector<16xf32>,
        %jit3A_291 = arith.constant 1.000000e+00 : f32
        %broadcast_in_dim3A_292 = vector.broadcast %jit3A_291 : f32 to vector<16xf32>
        %select_n3A_293 = arith.select %and3A_284, %broadcast_in_dim3A_292, %scan3A_116 : vector<16xi1>, vector<16xf32>
        %mul3A_294 = arith.constant 2 : i32
        %mul3A_295 = arith.muli %scan3A_115, %mul3A_294 : i32
        %add3A_296 = arith.constant 1 : i32
        %add3A_297 = arith.addi %mul3A_295, %add3A_296 : i32
        %mul3A_298 = arith.constant 16 : i32
        %mul3A_299 = arith.muli %add3A_297, %mul3A_298 : i32
        %get3A_300 = arith.index_cast %mul3A_299 : i32 to index
        %get3A_301 = tpu.vector_load %arg20[%get3A_300] {strides = array<i32>} : memref<800xi32, #tpu.memory_space<vmem>>, vector<16xi32>,
        %get3A_302 = arith.index_cast %mul3A_299 : i32 to index
        %get3A_303 = tpu.vector_load %arg21[%get3A_302] {strides = array<i32>} : memref<800xi32, #tpu.memory_space<vmem>>, vector<16xi32>,
        %gather3A_304 = tpu.vector_load_idx %arg11[%get3A_303] : memref<100000xf32, #tpu.memory_space<vmem>>[vector<16xi32>], vector<16xf32>,
        %gather3A_305 = tpu.vector_load_idx %arg11[%get3A_301] : memref<100000xf32, #tpu.memory_space<vmem>>[vector<16xi32>], vector<16xf32>,
        %sub3A_306 = arith.subf %gather3A_304, %gather3A_305 : vector<16xf32>
        %get3A_307 = arith.index_cast %mul3A_299 : i32 to index
        %get3A_308 = tpu.vector_load %arg24[%get3A_307] {strides = array<i32>} : memref<800xf32, #tpu.memory_space<vmem>>, vector<16xf32>,
        %get3A_309 = arith.index_cast %mul3A_299 : i32 to index
        %get3A_310 = tpu.vector_load %arg25[%get3A_309] {strides = array<i32>} : memref<800xf32, #tpu.memory_space<vmem>>, vector<16xf32>,
        %abs3A_311 = math.absf %get3A_310 : vector<16xf32>
        %get3A_312 = arith.index_cast %mul3A_299 : i32 to index
        %get3A_313 = tpu.vector_load %arg22[%get3A_312] {strides = array<i32>} : memref<800xf32, #tpu.memory_space<vmem>>, vector<16xf32>,
        %add3A_314 = arith.constant 9.99999997E-7 : f32
        %add3A_315 = vector.broadcast %add3A_314 : f32 to vector<16xf32>
        %add3A_316 = arith.addf %get3A_313, %add3A_315 : vector<16xf32>
        %bitcast3A_317 = vector.bitcast %add3A_316 : vector<16xf32> to vector<16xi32>
        %and3A_318 = arith.constant 2147483647 : i32
        %and3A_319 = vector.broadcast %and3A_318 : i32 to vector<16xi32>
        %and3A_320 = arith.andi %bitcast3A_317, %and3A_319 : vector<16xi32>
        %shift_right_logical3A_321 = arith.constant 23 : i32
        %shift_right_logical3A_322 = vector.broadcast %shift_right_logical3A_321 : i32 to vector<16xi32>
        %shift_right_logical3A_323 = arith.shrui %and3A_320, %shift_right_logical3A_322 : vector<16xi32>
        %sub3A_324 = arith.constant 127 : i32
        %sub3A_325 = vector.broadcast %sub3A_324 : i32 to vector<16xi32>
        %sub3A_326 = arith.subi %shift_right_logical3A_323, %sub3A_325 : vector<16xi32>
        %and3A_327 = arith.constant 8388607 : i32
        %and3A_328 = vector.broadcast %and3A_327 : i32 to vector<16xi32>
        %and3A_329 = arith.andi %and3A_320, %and3A_328 : vector<16xi32>
        %or3A_330 = arith.constant 1065353216 : i32
        %or3A_331 = vector.broadcast %or3A_330 : i32 to vector<16xi32>
        %or3A_332 = arith.ori %and3A_329, %or3A_331 : vector<16xi32>
        %bitcast3A_333 = vector.bitcast %or3A_332 : vector<16xi32> to vector<16xf32>
        %ge3A_334 = arith.constant 1.41421354 : f32
        %ge3A_335 = vector.broadcast %ge3A_334 : f32 to vector<16xf32>
        %ge3A_336 = arith.cmpf oge, %bitcast3A_333, %ge3A_335 : vector<16xf32>
        %mul3A_337 = arith.constant 5.000000e-01 : f32
        %mul3A_338 = vector.broadcast %mul3A_337 : f32 to vector<16xf32>
        %mul3A_339 = arith.mulf %bitcast3A_333, %mul3A_338 : vector<16xf32>
        %select_n3A_340 = arith.select %ge3A_336, %mul3A_339, %bitcast3A_333 : vector<16xi1>, vector<16xf32>
        %convert_element_type3A_341 = arith.sitofp %sub3A_326 : vector<16xi32> to vector<16xf32>
        %jit3A_342 = arith.constant 1.000000e+00 : f32
        %jit3A_343 = arith.constant 0.000000e+00 : f32
        %broadcast_in_dim3A_344 = vector.broadcast %jit3A_342 : f32 to vector<16xf32>
        %broadcast_in_dim3A_345 = vector.broadcast %jit3A_343 : f32 to vector<16xf32>
        %select_n3A_346 = arith.select %ge3A_336, %broadcast_in_dim3A_344, %broadcast_in_dim3A_345 : vector<16xi1>, vector<16xf32>
        %add3A_347 = arith.addf %convert_element_type3A_341, %select_n3A_346 : vector<16xf32>
        %sub3A_348 = arith.constant 1.000000e+00 : f32
        %sub3A_349 = vector.broadcast %sub3A_348 : f32 to vector<16xf32>
        %sub3A_350 = arith.subf %select_n3A_340, %sub3A_349 : vector<16xf32>
        %mul3A_351 = arith.constant 0.252715707 : f32
        %mul3A_352 = vector.broadcast %mul3A_351 : f32 to vector<16xf32>
        %mul3A_353 = arith.mulf %mul3A_352, %sub3A_350 : vector<16xf32>
        %add3A_354 = arith.constant -0.38679567 : f32
        %add3A_355 = vector.broadcast %add3A_354 : f32 to vector<16xf32>
        %add3A_356 = arith.addf %mul3A_353, %add3A_355 : vector<16xf32>
        %mul3A_357 = arith.mulf %add3A_356, %sub3A_350 : vector<16xf32>
        %add3A_358 = arith.constant 0.48478362 : f32
        %add3A_359 = vector.broadcast %add3A_358 : f32 to vector<16xf32>
        %add3A_360 = arith.addf %mul3A_357, %add3A_359 : vector<16xf32>
        %mul3A_361 = arith.mulf %add3A_360, %sub3A_350 : vector<16xf32>
        %add3A_362 = arith.constant -0.720775843 : f32
        %add3A_363 = vector.broadcast %add3A_362 : f32 to vector<16xf32>
        %add3A_364 = arith.addf %mul3A_361, %add3A_363 : vector<16xf32>
        %mul3A_365 = arith.mulf %add3A_364, %sub3A_350 : vector<16xf32>
        %add3A_366 = arith.constant 1.44265926 : f32
        %add3A_367 = vector.broadcast %add3A_366 : f32 to vector<16xf32>
        %add3A_368 = arith.addf %mul3A_365, %add3A_367 : vector<16xf32>
        %mul3A_369 = arith.mulf %sub3A_350, %add3A_368 : vector<16xf32>
        %add3A_370 = arith.addf %add3A_347, %mul3A_369 : vector<16xf32>
        %mul3A_371 = arith.constant 1.28370857 : f32
        %mul3A_372 = vector.broadcast %mul3A_371 : f32 to vector<16xf32>
        %mul3A_373 = arith.mulf %add3A_370, %mul3A_372 : vector<16xf32>
        %exp3A_374 = math.exp %mul3A_373 : vector<16xf32>
        %bitcast3A_375 = vector.bitcast %exp3A_374 : vector<16xf32> to vector<16xi32>
        %and3A_376 = arith.constant -2147483648 : i32
        %and3A_377 = vector.broadcast %and3A_376 : i32 to vector<16xi32>
        %and3A_378 = arith.andi %bitcast3A_317, %and3A_377 : vector<16xi32>
        %or3A_379 = arith.ori %bitcast3A_375, %and3A_378 : vector<16xi32>
        %bitcast3A_380 = vector.bitcast %or3A_379 : vector<16xi32> to vector<16xf32>
        %mul3A_381 = arith.mulf %bitcast3A_380, %abs3A_311 : vector<16xf32>
        %eq3A_382 = arith.constant 0.000000e+00 : f32
        %eq3A_383 = vector.broadcast %eq3A_382 : f32 to vector<16xf32>
        %eq3A_384 = arith.cmpf oeq, %get3A_308, %eq3A_383 : vector<16xf32>
        %jit3A_385 = arith.constant 1.000000e+00 : f32
        %jit3A_386 = arith.constant 0.000000e+00 : f32
        %broadcast_in_dim3A_387 = vector.broadcast %jit3A_385 : f32 to vector<16xf32>
        %broadcast_in_dim3A_388 = vector.broadcast %jit3A_386 : f32 to vector<16xf32>
        %select_n3A_389 = arith.select %eq3A_384, %broadcast_in_dim3A_387, %broadcast_in_dim3A_388 : vector<16xi1>, vector<16xf32>
        %get3A_390 = arith.index_cast %mul3A_299 : i32 to index
        %get3A_391 = tpu.vector_load %arg23[%get3A_390] {strides = array<i32>} : memref<800xf32, #tpu.memory_space<vmem>>, vector<16xf32>,
        %bitcast3A_392 = vector.bitcast %get3A_391 : vector<16xf32> to vector<16xi32>
        %and3A_393 = arith.constant 2147483647 : i32
        %and3A_394 = vector.broadcast %and3A_393 : i32 to vector<16xi32>
        %and3A_395 = arith.andi %bitcast3A_392, %and3A_394 : vector<16xi32>
        %shift_right_logical3A_396 = arith.constant 23 : i32
        %shift_right_logical3A_397 = vector.broadcast %shift_right_logical3A_396 : i32 to vector<16xi32>
        %shift_right_logical3A_398 = arith.shrui %and3A_395, %shift_right_logical3A_397 : vector<16xi32>
        %sub3A_399 = arith.constant 127 : i32
        %sub3A_400 = vector.broadcast %sub3A_399 : i32 to vector<16xi32>
        %sub3A_401 = arith.subi %shift_right_logical3A_398, %sub3A_400 : vector<16xi32>
        %and3A_402 = arith.constant 8388607 : i32
        %and3A_403 = vector.broadcast %and3A_402 : i32 to vector<16xi32>
        %and3A_404 = arith.andi %and3A_395, %and3A_403 : vector<16xi32>
        %or3A_405 = arith.constant 1065353216 : i32
        %or3A_406 = vector.broadcast %or3A_405 : i32 to vector<16xi32>
        %or3A_407 = arith.ori %and3A_404, %or3A_406 : vector<16xi32>
        %bitcast3A_408 = vector.bitcast %or3A_407 : vector<16xi32> to vector<16xf32>
        %ge3A_409 = arith.constant 1.41421354 : f32
        %ge3A_410 = vector.broadcast %ge3A_409 : f32 to vector<16xf32>
        %ge3A_411 = arith.cmpf oge, %bitcast3A_408, %ge3A_410 : vector<16xf32>
        %mul3A_412 = arith.constant 5.000000e-01 : f32
        %mul3A_413 = vector.broadcast %mul3A_412 : f32 to vector<16xf32>
        %mul3A_414 = arith.mulf %bitcast3A_408, %mul3A_413 : vector<16xf32>
        %select_n3A_415 = arith.select %ge3A_411, %mul3A_414, %bitcast3A_408 : vector<16xi1>, vector<16xf32>
        %convert_element_type3A_416 = arith.sitofp %sub3A_401 : vector<16xi32> to vector<16xf32>
        %jit3A_417 = arith.constant 1.000000e+00 : f32
        %jit3A_418 = arith.constant 0.000000e+00 : f32
        %broadcast_in_dim3A_419 = vector.broadcast %jit3A_417 : f32 to vector<16xf32>
        %broadcast_in_dim3A_420 = vector.broadcast %jit3A_418 : f32 to vector<16xf32>
        %select_n3A_421 = arith.select %ge3A_411, %broadcast_in_dim3A_419, %broadcast_in_dim3A_420 : vector<16xi1>, vector<16xf32>
        %add3A_422 = arith.addf %convert_element_type3A_416, %select_n3A_421 : vector<16xf32>
        %sub3A_423 = arith.constant 1.000000e+00 : f32
        %sub3A_424 = vector.broadcast %sub3A_423 : f32 to vector<16xf32>
        %sub3A_425 = arith.subf %select_n3A_415, %sub3A_424 : vector<16xf32>
        %mul3A_426 = arith.constant 0.252715707 : f32
        %mul3A_427 = vector.broadcast %mul3A_426 : f32 to vector<16xf32>
        %mul3A_428 = arith.mulf %mul3A_427, %sub3A_425 : vector<16xf32>
        %add3A_429 = arith.constant -0.38679567 : f32
        %add3A_430 = vector.broadcast %add3A_429 : f32 to vector<16xf32>
        %add3A_431 = arith.addf %mul3A_428, %add3A_430 : vector<16xf32>
        %mul3A_432 = arith.mulf %add3A_431, %sub3A_425 : vector<16xf32>
        %add3A_433 = arith.constant 0.48478362 : f32
        %add3A_434 = vector.broadcast %add3A_433 : f32 to vector<16xf32>
        %add3A_435 = arith.addf %mul3A_432, %add3A_434 : vector<16xf32>
        %mul3A_436 = arith.mulf %add3A_435, %sub3A_425 : vector<16xf32>
        %add3A_437 = arith.constant -0.720775843 : f32
        %add3A_438 = vector.broadcast %add3A_437 : f32 to vector<16xf32>
        %add3A_439 = arith.addf %mul3A_436, %add3A_438 : vector<16xf32>
        %mul3A_440 = arith.mulf %add3A_439, %sub3A_425 : vector<16xf32>
        %add3A_441 = arith.constant 1.44265926 : f32
        %add3A_442 = vector.broadcast %add3A_441 : f32 to vector<16xf32>
        %add3A_443 = arith.addf %mul3A_440, %add3A_442 : vector<16xf32>
        %mul3A_444 = arith.mulf %sub3A_425, %add3A_443 : vector<16xf32>
        %add3A_445 = arith.addf %add3A_422, %mul3A_444 : vector<16xf32>
        %mul3A_446 = arith.constant 1.28370857 : f32
        %mul3A_447 = vector.broadcast %mul3A_446 : f32 to vector<16xf32>
        %mul3A_448 = arith.mulf %add3A_445, %mul3A_447 : vector<16xf32>
        %exp3A_449 = math.exp %mul3A_448 : vector<16xf32>
        %bitcast3A_450 = vector.bitcast %exp3A_449 : vector<16xf32> to vector<16xi32>
        %and3A_451 = arith.constant -2147483648 : i32
        %and3A_452 = vector.broadcast %and3A_451 : i32 to vector<16xi32>
        %and3A_453 = arith.andi %bitcast3A_392, %and3A_452 : vector<16xi32>
        %or3A_454 = arith.ori %bitcast3A_450, %and3A_453 : vector<16xi32>
        %bitcast3A_455 = vector.bitcast %or3A_454 : vector<16xi32> to vector<16xf32>
        %mul3A_456 = arith.mulf %bitcast3A_455, %abs3A_311 : vector<16xf32>
        %sub3A_457 = arith.subf %sub3A_306, %mul3A_456 : vector<16xf32>
        %abs3A_458 = math.absf %sub3A_457 : vector<16xf32>
        %abs3A_459 = math.absf %sub3A_306 : vector<16xf32>
        %gt3A_460 = arith.constant 0.00999999977 : f32
        %gt3A_461 = vector.broadcast %gt3A_460 : f32 to vector<16xf32>
        %gt3A_462 = arith.cmpf ogt, %abs3A_458, %gt3A_461 : vector<16xf32>
        %add3A_463 = arith.constant 0.00999999977 : f32
        %add3A_464 = vector.broadcast %add3A_463 : f32 to vector<16xf32>
        %add3A_465 = arith.addf %abs3A_459, %add3A_464 : vector<16xf32>
        %mul3A_466 = arith.constant 0.00999999977 : f32
        %mul3A_467 = vector.broadcast %mul3A_466 : f32 to vector<16xf32>
        %mul3A_468 = arith.mulf %mul3A_467, %add3A_465 : vector<16xf32>
        %gt3A_469 = arith.cmpf ogt, %abs3A_458, %mul3A_468 : vector<16xf32>
        %and3A_470 = arith.andi %gt3A_462, %gt3A_469 : vector<16xi1>
        %gt3A_471 = arith.constant 1.000000e-03 : f32
        %gt3A_472 = vector.broadcast %gt3A_471 : f32 to vector<16xf32>
        %gt3A_473 = arith.cmpf ogt, %abs3A_459, %gt3A_472 : vector<16xf32>
        %and3A_474 = arith.andi %and3A_470, %gt3A_473 : vector<16xi1>
        %and3A_475 = arith.andi %and3A_474, %eq3A_384 : vector<16xi1>
        %mul3A_476 = arith.mulf %mul3A_381, %select_n3A_389 : vector<16xf32>
        %swap3A_477 = arith.index_cast %mul3A_299 : i32 to index
        %swap3A_478 = tpu.vector_load %arg26[%swap3A_477] {strides = array<i32>} : memref<800xf32, #tpu.memory_space<vmem>>, vector<16xf32>,
        tpu.vector_store %arg26[%swap3A_477], %mul3A_476 {strides = array<i32>} : memref<800xf32, #tpu.memory_space<vmem>>, vector<16xf32>,
        %mul3A_479 = arith.mulf %sub3A_306, %select_n3A_389 : vector<16xf32>
        %swap3A_480 = arith.index_cast %mul3A_299 : i32 to index
        %swap3A_481 = tpu.vector_load %arg27[%swap3A_480] {strides = array<i32>} : memref<800xf32, #tpu.memory_space<vmem>>, vector<16xf32>,
        tpu.vector_store %arg27[%swap3A_480], %mul3A_479 {strides = array<i32>} : memref<800xf32, #tpu.memory_space<vmem>>, vector<16xf32>,
        %jit3A_482 = arith.constant 1.000000e+00 : f32
        %broadcast_in_dim3A_483 = vector.broadcast %jit3A_482 : f32 to vector<16xf32>
        %select_n3A_484 = arith.select %and3A_475, %broadcast_in_dim3A_483, %select_n3A_293 : vector<16xi1>, vector<16xf32>
        scf.yield %select_n3A_484 : vector<16xf32>
      }
      %scan3A_110 = arith.constant 25 : i32
      %dma_start3A_111 = tpu.memref_slice %arg8[%add3A_40] : memref<6400000xf32, #tpu.memory_space<hbm>> -> memref<800xf32, #tpu.memory_space<hbm>>
      %dma_start3A_112 = tpu.memref_slice %arg8[%add3A_40] : memref<6400000xf32, #tpu.memory_space<hbm>> -> memref<800xf32, #tpu.memory_space<hbm>>
      tpu.enqueue_dma source(%arg26 : memref<800xf32, #tpu.memory_space<vmem>>) target(%dma_start3A_112 : memref<800xf32, #tpu.memory_space<hbm>>) target_semaphore(%arg32 : memref<!tpu.dma_semaphore, #tpu.memory_space<semaphore_mem>>)
      %dma_start3A_113 = tpu.memref_slice %arg9[%add3A_40] : memref<6400000xf32, #tpu.memory_space<hbm>> -> memref<800xf32, #tpu.memory_space<hbm>>
      %dma_start3A_114 = tpu.memref_slice %arg9[%add3A_40] : memref<6400000xf32, #tpu.memory_space<hbm>> -> memref<800xf32, #tpu.memory_space<hbm>>
      tpu.enqueue_dma source(%arg27 : memref<800xf32, #tpu.memory_space<vmem>>) target(%dma_start3A_114 : memref<800xf32, #tpu.memory_space<hbm>>) target_semaphore(%arg32 : memref<!tpu.dma_semaphore, #tpu.memory_space<semaphore_mem>>)
      scf.yield %scan3A_109 : vector<16xf32>
    }
    %scan3A_21 = arith.constant 125 : i32
    %dma_wait3A = tpu.memref_slice %arg8[%mul3A_2] : memref<6400000xf32, #tpu.memory_space<hbm>> -> memref<800xf32, #tpu.memory_space<hbm>>
    %dma_wait3A_22 = tpu.memref_slice %arg8[%mul3A_2] : memref<6400000xf32, #tpu.memory_space<hbm>> -> memref<800xf32, #tpu.memory_space<hbm>>
    tpu.wait_dma2 semaphore(%arg31 : memref<!tpu.dma_semaphore, #tpu.memory_space<semaphore_mem>>) src(%arg18 : memref<800xf32, #tpu.memory_space<vmem>>) dst(%dma_wait3A_22 : memref<800xf32, #tpu.memory_space<hbm>>)
    %dma_wait3A_23 = tpu.memref_slice %arg9[%mul3A_2] : memref<6400000xf32, #tpu.memory_space<hbm>> -> memref<800xf32, #tpu.memory_space<hbm>>
    %dma_wait3A_24 = tpu.memref_slice %arg9[%mul3A_2] : memref<6400000xf32, #tpu.memory_space<hbm>> -> memref<800xf32, #tpu.memory_space<hbm>>
    tpu.wait_dma2 semaphore(%arg31 : memref<!tpu.dma_semaphore, #tpu.memory_space<semaphore_mem>>) src(%arg19 : memref<800xf32, #tpu.memory_space<vmem>>) dst(%dma_wait3A_24 : memref<800xf32, #tpu.memory_space<hbm>>)
    %dma_wait3A_25 = tpu.memref_slice %arg8[%mul3A_2] : memref<6400000xf32, #tpu.memory_space<hbm>> -> memref<800xf32, #tpu.memory_space<hbm>>
    %dma_wait3A_26 = tpu.memref_slice %arg8[%mul3A_2] : memref<6400000xf32, #tpu.memory_space<hbm>> -> memref<800xf32, #tpu.memory_space<hbm>>
    tpu.wait_dma2 semaphore(%arg32 : memref<!tpu.dma_semaphore, #tpu.memory_space<semaphore_mem>>) src(%arg26 : memref<800xf32, #tpu.memory_space<vmem>>) dst(%dma_wait3A_26 : memref<800xf32, #tpu.memory_space<hbm>>)
    %dma_wait3A_27 = tpu.memref_slice %arg9[%mul3A_2] : memref<6400000xf32, #tpu.memory_space<hbm>> -> memref<800xf32, #tpu.memory_space<hbm>>
    %dma_wait3A_28 = tpu.memref_slice %arg9[%mul3A_2] : memref<6400000xf32, #tpu.memory_space<hbm>> -> memref<800xf32, #tpu.memory_space<hbm>>
    tpu.wait_dma2 semaphore(%arg32 : memref<!tpu.dma_semaphore, #tpu.memory_space<semaphore_mem>>) src(%arg27 : memref<800xf32, #tpu.memory_space<vmem>>) dst(%dma_wait3A_28 : memref<800xf32, #tpu.memory_space<hbm>>)
    %swap3A = arith.constant 0 : i32
    %swap3A_29 = arith.index_cast %swap3A : i32 to index
    %swap3A_30 = arith.constant 0 : index
    %swap3A_31 = tpu.vector_load %arg28[%swap3A_29, %swap3A_30] {strides = array<i32>} : memref<1x16xf32, #tpu.memory_space<vmem>>, vector<16xf32>,
    tpu.vector_store %arg28[%swap3A_29, %swap3A_30], %scan3A_20 {strides = array<i32>} : memref<1x16xf32, #tpu.memory_space<vmem>>, vector<16xf32>,
    "tpu.region"() ({
      %run_scoped3A = tpu.sem_alloc : memref<!tpu.dma_semaphore, #tpu.memory_space<semaphore_mem>>
      %dma_start3A_32 = arith.constant 0 : i32
      %dma_start3A_33 = tpu.memref_slice %arg10[%add3A, %dma_start3A_32] : memref<32x16xf32, #tpu.memory_space<hbm>> -> memref<1x16xf32, #tpu.memory_space<hbm>>
      %dma_start3A_34 = arith.constant 0 : i32
      %dma_start3A_35 = tpu.memref_slice %arg10[%add3A, %dma_start3A_34] : memref<32x16xf32, #tpu.memory_space<hbm>> -> memref<1x16xf32, #tpu.memory_space<hbm>>
      tpu.enqueue_dma source(%arg28 : memref<1x16xf32, #tpu.memory_space<vmem>>) target(%dma_start3A_35 : memref<1x16xf32, #tpu.memory_space<hbm>>) target_semaphore(%run_scoped3A : memref<!tpu.dma_semaphore, #tpu.memory_space<semaphore_mem>>)
      %dma_wait3A_36 = arith.constant 0 : i32
      %dma_wait3A_37 = tpu.memref_slice %arg10[%add3A, %dma_wait3A_36] : memref<32x16xf32, #tpu.memory_space<hbm>> -> memref<1x16xf32, #tpu.memory_space<hbm>>
      %dma_wait3A_38 = arith.constant 0 : i32
      %dma_wait3A_39 = tpu.memref_slice %arg10[%add3A, %dma_wait3A_38] : memref<32x16xf32, #tpu.memory_space<hbm>> -> memref<1x16xf32, #tpu.memory_space<hbm>>
      tpu.wait_dma2 semaphore(%run_scoped3A : memref<!tpu.dma_semaphore, #tpu.memory_space<semaphore_mem>>) src(%arg28 : memref<1x16xf32, #tpu.memory_space<vmem>>) dst(%dma_wait3A_39 : memref<1x16xf32, #tpu.memory_space<hbm>>)
      tpu.yield
    }) : () -> ()
    return
  }
}

module attributes {stable_mosaic.version = 14 : i64} {
  func.func @_nan_body(%arg0: memref<4x128xf32, #tpu.memory_space<vmem>>, %arg1: memref<50000x128xf32, #tpu.memory_space<any>>, %arg2: memref<50000x128xf32, #tpu.memory_space<any>>, %arg3: memref<50000x128xf32, #tpu.memory_space<any>>, %arg4: memref<50000x128xf32, #tpu.memory_space<any>>, %arg5: memref<1000x128xf32, #tpu.memory_space<vmem>>, %arg6: memref<!tpu.dma_semaphore, #tpu.memory_space<semaphore_mem>>) attributes {dimension_semantics = [], scalar_prefetch = 0 : i64, scratch_operands = 2 : i64, tpu.core_type = #tpu.core_type<tc>} {
    %get3A = arith.constant 0 : index
    %get3A_0 = arith.constant 0 : index
    %get3A_1 = vector.load %arg0[%get3A, %get3A_0] : memref<4x128xf32, #tpu.memory_space<vmem>>, vector<4x128xf32>
    %ne3A = arith.constant 0.000000e+00 : f32
    %ne3A_2 = vector.broadcast %ne3A : f32 to vector<4x128xf32>
    %ne3A_3 = arith.cmpf one, %get3A_1, %ne3A_2 : vector<4x128xf32>
    %reduce_or3A = arith.constant 1.000000e+00 : f32
    %reduce_or3A_4 = arith.constant 0.000000e+00 : f32
    %reduce_or3A_5 = vector.broadcast %reduce_or3A : f32 to vector<4x128xf32>
    %reduce_or3A_6 = vector.broadcast %reduce_or3A_4 : f32 to vector<4x128xf32>
    %reduce_or3A_7 = arith.select %ne3A_3, %reduce_or3A_5, %reduce_or3A_6 : vector<4x128xi1>, vector<4x128xf32>
    %reduce_or3A_8 = vector.shape_cast %reduce_or3A_7 : vector<4x128xf32> to vector<1x4x128xf32>
    %reduce_or3A_9 = arith.constant dense<0xFF800000> : vector<1xf32>
    %reduce_or3A_10 = vector.multi_reduction <maximumf>, %reduce_or3A_8, %reduce_or3A_9 [1, 2] : vector<1x4x128xf32> to vector<1xf32>
    %reduce_or3A_11 = vector.shape_cast %reduce_or3A_10 : vector<1xf32> to vector<1x1x1xf32>
    %reduce_or3A_12 = vector.extract %reduce_or3A_11[0, 0, 0] : f32 from vector<1x1x1xf32>
    %reduce_or3A_13 = arith.constant 0.000000e+00 : f32
    %reduce_or3A_14 = arith.cmpf ogt, %reduce_or3A_12, %reduce_or3A_13 : f32
    %convert_element_type3A = arith.extui %reduce_or3A_14 : i1 to i32
    %cond3A = arith.constant 0 : i32
    %cond3A_15 = arith.cmpi ne, %convert_element_type3A, %cond3A : i32
    scf.if %cond3A_15 {
      %broadcast_in_dim3A = arith.constant 0x7FC00000 : f32
      %broadcast_in_dim3A_16 = vector.broadcast %broadcast_in_dim3A : f32 to vector<1000x128xf32>
      %swap3A = arith.constant 0 : index
      %swap3A_17 = arith.constant 0 : index
      %swap3A_18 = vector.load %arg5[%swap3A, %swap3A_17] : memref<1000x128xf32, #tpu.memory_space<vmem>>, vector<1000x128xf32>
      tpu.vector_store %arg5[%swap3A, %swap3A_17], %broadcast_in_dim3A_16 {strides = array<i32>} : memref<1000x128xf32, #tpu.memory_space<vmem>>, vector<1000x128xf32>,
      %scan3A = arith.constant 0 : i32
      %scan3A_19 = arith.constant 50 : i32
      %scan3A_20 = arith.addi %scan3A, %scan3A_19 : i32
      %scan3A_21 = arith.constant 1 : i32
      scf.for %scan3A_23 = %scan3A to %scan3A_20 step %scan3A_21  : i32 {
        %mul3A = arith.constant 1000 : i32
        %mul3A_24 = arith.muli %scan3A_23, %mul3A : i32
        %dma_start3A = arith.constant 0 : i32
        %dma_start3A_25 = tpu.memref_slice %arg3[%mul3A_24, %dma_start3A] : memref<50000x128xf32, #tpu.memory_space<any>> -> memref<1000x128xf32, #tpu.memory_space<any>>
        tpu.enqueue_dma source(%arg5 : memref<1000x128xf32, #tpu.memory_space<vmem>>) target(%dma_start3A_25 : memref<1000x128xf32, #tpu.memory_space<any>>) target_semaphore(%arg6 : memref<!tpu.dma_semaphore, #tpu.memory_space<semaphore_mem>>)
        %dma_wait3A = arith.constant 0 : i32
        %dma_wait3A_26 = tpu.memref_slice %arg3[%mul3A_24, %dma_wait3A] : memref<50000x128xf32, #tpu.memory_space<any>> -> memref<1000x128xf32, #tpu.memory_space<any>>
        tpu.wait_dma2 semaphore(%arg6 : memref<!tpu.dma_semaphore, #tpu.memory_space<semaphore_mem>>) src(%arg5 : memref<1000x128xf32, #tpu.memory_space<vmem>>) dst(%dma_wait3A_26 : memref<1000x128xf32, #tpu.memory_space<any>>)
        %mul3A_27 = arith.constant 1000 : i32
        %mul3A_28 = arith.muli %scan3A_23, %mul3A_27 : i32
        %dma_start3A_29 = arith.constant 0 : i32
        %dma_start3A_30 = tpu.memref_slice %arg4[%mul3A_28, %dma_start3A_29] : memref<50000x128xf32, #tpu.memory_space<any>> -> memref<1000x128xf32, #tpu.memory_space<any>>
        tpu.enqueue_dma source(%arg5 : memref<1000x128xf32, #tpu.memory_space<vmem>>) target(%dma_start3A_30 : memref<1000x128xf32, #tpu.memory_space<any>>) target_semaphore(%arg6 : memref<!tpu.dma_semaphore, #tpu.memory_space<semaphore_mem>>)
        %dma_wait3A_31 = arith.constant 0 : i32
        %dma_wait3A_32 = tpu.memref_slice %arg4[%mul3A_28, %dma_wait3A_31] : memref<50000x128xf32, #tpu.memory_space<any>> -> memref<1000x128xf32, #tpu.memory_space<any>>
        tpu.wait_dma2 semaphore(%arg6 : memref<!tpu.dma_semaphore, #tpu.memory_space<semaphore_mem>>) src(%arg5 : memref<1000x128xf32, #tpu.memory_space<vmem>>) dst(%dma_wait3A_32 : memref<1000x128xf32, #tpu.memory_space<any>>)
      }
      %scan3A_22 = arith.constant 50 : i32
    } else {
    }
    return
  }
}

</mosaic_0001>

<sc_bundles>
// kernel: kernel.4.cloned.1.call-start
scs
__scs_entry_jumppad:
0x0: {  	(pc) =	sbr.rel $0x88, $3  }
0x1: {  	(tag) =	ssettag $0x0;
	lr =	simm.s32 $0x1  }
0x2: {  	[smem:$0x3F9C] =	sst lr;
	_ =	strace $0xD0000000  }
0x3: {  	_ = 	snop  }
0x4: {  	_ = 	snop  }
0x5: {  	_ = 	snop  }
0x6: {  	_ = 	snop  }
0x7: {  	_ = 	snop  }
__scs_overlays_trampoline_lowered:
0x8: {  	[smem:$0x3FAB] =	sst s0  }
0x9: {  	[smem:$0x3FAC] =	sst s1  }
0xa: {  	[smem:$0x3FAD] =	sst s2  }
0xb: {  	[smem:$0x3FAE] =	sst s3  }
0xc: {  	[smem:$0x3FAF] =	sst s4  }
0xd: {  	[smem:$0x3FB0] =	sst s5  }
0xe: {  	[smem:$0x3FB1] =	sst s6  }
0xf: {  	[smem:$0x3FB2] =	sst s7  }
0x10: {  	[smem:$0x3FB3] =	sst s8  }
0x11: {  	[smem:$0x3FB4] =	sst s9;
	s0 =	simm.s32 @!p0 $0x0  }
0x12: {  	s1 =	sld [smem:$0x3F9A];
	s0 =	simm.s32 @p0 $0x1  }
0x13: {  	[smem:$0x3FB5] =	sst s0;
	s0 =	simm.s32 @!p1 $0x0  }
0x14: {  	s2 =	sld [smem:$0x3F99];
	s0 =	simm.s32 @p1 $0x1  }
0x15: {  	[smem:$0x3FB6] =	sst s0;
	s0 =	simm.s32 @!p2 $0x0  }
0x16: {  	s3 =	sld [smem:$0x3FDB];
	s0 =	simm.s32 @p2 $0x1  }
0x17: {  	s4 =	simm.s32 $0x1BF5;
	[smem:$0x3FB8] =	sst s0  }
0x18: {  	s0 =	sld [smem:$0x3F9B];
	_ =	swait.ge [sflag:s4], $0x0  }
0x19: {  	s7 =	sld [smem:$0x3F9C]  }
0x1a: {  	s8 =	sadd.s32 $0xFFFFE003, lr  }
0x1b: {  	s9 =	sadd.s32 $0xFFFFFEF7, lr;
	s5 =	simm.s32 $0xFFFFFFFF;
	p2 =	slt.u32 s8, $0xFFFFF086  }
0x1c: {  	p1 =	slt.u32 s9, $0xF7A;
	s5 =	simm.s32 @!p2 $0x0  }
0x1d: {  	s5 =	simm.s32 @p1 $0x1;
	p0 =	seq.s32 s7, s2  }
0x1e: {  	s7 =	smul.u32 @!p0 $0xF7A, s2;
	p2 =	seq.s32 @!p0 s5, $0x0  }
0x1f: {  	s9 =	smul.u32 $0xF7A, s1;
	s8 =	simm.s32 @!p0 $0x1BF5;
	p2 =	por !p2, p0  }
0x20: {  	[sflag:s8] =	ssyncset.s32 @!p0 $0xFFFFF086;
	s6 =	sadd.s32 @!p0 s3, s7;
	s7 =	simm.s32 @!p0 $0x108  }
0x21: {  	s3 =	sadd.s32 s3, s9;
	s6 =	sadd.s32 @!p0 $0x88, s6;
	s7 =	simm.s32 @p2 $0x1082  }
0x22: {  	[simem:s7], [sflag:s8] =	dma.local @!p0 [hbm:s6], $0xF7A  }
0x23: {  	s9 =	sor.u32 $0xD0000000, s2;
	s6 =	simm.s32 $0x108;
	_ =	swait.ge @!p0 [sflag:s8], $0x0  }
0x24: {  	s3 =	sadd.s32 $0x88, s3;
	s6 =	simm.s32 @!p1 $0x1082;
	[sflag:s4] =	ssyncset.s32 $0xFFFFF086  }
0x25: {  	[simem:s6], [sflag:s4] =	dma.local [hbm:s3], $0xF7A  }
0x26: {  	[smem:$0x3F9C] =	sst s1;
	(tag) =	ssettag s2;
	_ =	strace s9  }
0x27: {  	s1 =	sld [smem:$0x3FAC]  }
0x28: {  	s2 =	sld [smem:$0x3FAD]  }
0x29: {  	s4 =	sld [smem:$0x3FAF]  }
0x2a: {  	p0 =	seq.s32 s5, $0x0;
	s5 =	sld [smem:$0x3FB0]  }
0x2b: {  	s6 =	sld [smem:$0x3FB1]  }
0x2c: {  	s7 =	sld [smem:$0x3FB2]  }
0x2d: {  	s3 =	simm.s32 $0x108;
	s8 =	sld [smem:$0x3FB3]  }
0x2e: {  	s3 =	simm.s32 @!p0 $0x1082;
	s9 =	sld [smem:$0x3FB4]  }
0x2f: {  	lr =	sadd.s32 s0, s3;
	s0 =	sld [smem:$0x3FAB]  }
0x30: {  	s3 =	sld [smem:$0x3FAE]  }
0x31: {  	[smem:$0x3FB7] =	sst s10  }
0x32: {  	s10 =	sld [smem:$0x3FB5];
	_ =	sdelay $0x3  }
0x33: {  	p0 =	seq.s32 s10, $0x1;
	s10 =	sld [smem:$0x3FB7];
	_ =	sdelay $0x3  }
0x34: {  	[smem:$0x3FB7] =	sst s10  }
0x35: {  	s10 =	sld [smem:$0x3FB6];
	_ =	sdelay $0x3  }
0x36: {  	p1 =	seq.s32 s10, $0x1;
	s10 =	sld [smem:$0x3FB7];
	_ =	sdelay $0x3  }
0x37: {  	[smem:$0x3FB7] =	sst s10  }
0x38: {  	s10 =	sld [smem:$0x3FB8]  }
0x39: {  	_ = 	snop;
	(pc) =	sbr.ind lr, $3  }
0x3a: {  	_ = 	snop  }
0x3b: {  	_ = 	snop  }
0x3c: {  	p2 =	seq.s32 s10, $0x1;
	s10 =	sld [smem:$0x3FB7]  }
0x3d: {  	_ =	shalt  }
0x3e: {  	_ =	shalt  }
0x3f: {  	_ =	shalt  }
0x40: {  	_ =	shalt  }
0x41: {  	_ =	shalt  }
0x42: {  	_ =	shalt  }
0x43: {  	_ =	shalt  }
0x44: {  	_ =	shalt  }
0x45: {  	_ =	shalt  }
0x46: {  	_ =	shalt  }
0x47: {  	_ =	shalt  }
0x48: {  	_ =	shalt  }
0x49: {  	_ =	shalt  }
0x4a: {  	_ =	shalt  }
0x4b: {  	_ =	shalt  }
0x4c: {  	_ =	shalt  }
0x4d: {  	_ =	shalt  }
0x4e: {  	_ =	shalt  }
0x4f: {  	_ =	shalt  }
0x50: {  	_ =	shalt  }
0x51: {  	_ =	shalt  }
0x52: {  	_ =	shalt  }
0x53: {  	_ =	shalt  }
0x54: {  	_ =	shalt  }
0x55: {  	_ =	shalt  }
0x56: {  	_ =	shalt  }
0x57: {  	_ =	shalt  }
0x58: {  	_ =	shalt  }
0x59: {  	_ =	shalt  }
0x5a: {  	_ =	shalt  }
0x5b: {  	_ =	shalt  }
0x5c: {  	_ =	shalt  }
0x5d: {  	_ =	shalt  }
0x5e: {  	_ =	shalt  }
0x5f: {  	_ =	shalt  }
0x60: {  	_ =	shalt  }
0x61: {  	_ =	shalt  }
0x62: {  	_ =	shalt  }
0x63: {  	_ =	shalt  }
0x64: {  	_ =	shalt  }
0x65: {  	_ =	shalt  }
0x66: {  	_ =	shalt  }
0x67: {  	_ =	shalt  }
0x68: {  	_ =	shalt  }
0x69: {  	_ =	shalt  }
0x6a: {  	_ =	shalt  }
0x6b: {  	_ =	shalt  }
0x6c: {  	_ =	shalt  }
0x6d: {  	_ =	shalt  }
0x6e: {  	_ =	shalt  }
0x6f: {  	_ =	shalt  }
0x70: {  	_ =	shalt  }
0x71: {  	_ =	shalt  }
0x72: {  	_ =	shalt  }
0x73: {  	_ =	shalt  }
0x74: {  	_ =	shalt  }
0x75: {  	_ =	shalt  }
0x76: {  	_ =	shalt  }
0x77: {  	_ =	shalt  }
0x78: {  	_ =	shalt  }
0x79: {  	_ =	shalt  }
0x7a: {  	_ =	shalt  }
0x7b: {  	_ =	shalt  }
0x7c: {  	_ =	shalt  }
0x7d: {  	_ =	shalt  }
0x7e: {  	_ =	shalt  }
0x7f: {  	_ =	shalt  }
0x80: {  	_ =	shalt  }
0x81: {  	_ =	shalt  }
0x82: {  	_ =	shalt  }
0x83: {  	_ =	shalt  }
0x84: {  	_ =	shalt  }
0x85: {  	_ =	shalt  }
0x86: {  	_ =	shalt  }
0x87: {  	_ =	shalt  }
.Lfunc_end0:
.L_simem_size_0:
called_computation.1_lowered:
.L_overlay_start_0:
0x88: {  	s2 =	sld [smem:$0x3FD9]  }
0x89: {  	s3 =	sld [smem:$0x3FFE];
	_ =	sdelay $0x1  }
0x8a: {  	s1 =	srdreg.scid  }
0x8b: {  	s0 =	sand.u32 $0x1, s1  }
0x8c: {  	s14 =	sshll.u32 s0, $0xA;
	s2 =	sadd.s32 s3, s2  }
0x8d: {  	s2 =	sadd.s32 s2, s14  }
0x8e: {  	[smem:$0x3FC3] =	sst s2  }
0x8f: {  	_ = 	snop  }
0x90: {  	s2 =	sld [smem:$0x3FD0]  }
0x91: {  	s15 =	sld [smem:$0x3FC9]  }
0x92: {  	s4 =	sld [smem:$0x3FC6]  }
0x93: {  	s6 =	simm.s32 $0xA;
	s7 =	simm.s32 $0x10;
	s5 =	sld [smem:$0x3FC5]  }
0x94: {  	[smem:s7], [sflag:s6] =	dma.local [hbm:s2], $0x1  }
0x95: {  	_ =	swait.eq [sflag:s6], $0x1  }
0x96: {  	[sflag:s6] =	ssyncset.done $0x0  }
0x97: {  	s16 =	sld [smem:$0x10];
	[sflag:s6] =	ssyncadd.s32 $0xFFFFFFFF  }
0x98: {  	s17 =	sld [smem:$0x11];
	(tm) =	ssettm $0x1  }
0x99: {  	s18 =	sld [smem:$0x3FFB];
	_ =	sdelay $0x3  }
0x9a: {  	_ =	strace s18  }
0x9b: {  	s7 =	sld [smem:$0x3FFC];
	_ =	sdelay $0x3  }
0x9c: {  	_ =	strace s7  }
0x9d: {  	s7 =	sld [smem:$0x3FFD];
	_ =	sdelay $0x3  }
0x9e: {  	_ =	strace s7  }
0x9f: {  	_ =	strace $0x8FFFFFFF  }
0xa0: {  	s19 =	sld [smem:$0x3FDB];
	_ =	sdelay $0x1  }
0xa1: {  	s8 =	simm.s32 $_scs_section_size  }
0xa2: {  	s9 =	simm.s32 $_size__tile_overlayer_lowered;
	s10 =	simm.s32 $_tile_overlayer_lowered  }
0xa3: {  	s22 =	simm.s32 $0x1BFF;
	s21 =	sshll.u32 s10, $0x1;
	s7 =	sadd.s32 s8, s19  }
0xa4: {  	s11 =	simm.s32 $0x0;
	s20 =	sshll.u32 s9, $0x1;
	s9 =	sadd.s32 s21, s7  }
0xa5: {  	[timem:s11], [sflag:s22] =	dma.local [hbm:s9], s20  }
0xa6: {  	_ =	swait.ge [sflag:s22], s20  }
0xa7: {  	s8 =	ssub.s32 $0x0, s20;
	[sflag:s22] =	ssyncset.done $0x0  }
0xa8: {  	[sflag:s22] =	ssyncadd.s32 s8;
	_ =	sdelay $0x1  }
0xa9: {  	s23 =	simm.s32 $0x1B8B  }
0xaa: {  	_ =	swait.ge [sflag:s23], $0x1  }
0xab: {  	[sflag:s23] =	ssyncset.done $0x0  }
0xac: {  	s25 =	simm.s32 $0x1B8E;
	s24 =	sld [smem:$0x3FFE];
	[sflag:s23] =	ssyncadd.s32 $0xFFFFFFFF  }
0xad: {  	s26 =	simm.s32 $execute0_lowered;
	[smem:$0x3FD2] =	sst s25  }
0xae: {  	s9 =	sshll.u32 s26, $0x1;
	_ =	strace $0x80000049;
	[dreg:$0x1] =	wrdreg $0xFFFFFFFF  }
0xaf: {  	s28 =	simm.s32 $_size_execute0_lowered;
	s7 =	sadd.s32 s7, s9;
	[dreg:$0x0] =	wrdreg $0x0  }
0xb0: {  	s9 =	sshll.u32 s28, $0x1;
	[dreg:$0x2] =	wrdreg s7  }
0xb1: {  	[dreg:$0x3] =	wrdreg s9  }
0xb2: {  	[dreg:$0x4] =	wrdreg $0xC0  }
0xb3: {  	_ =	task [dreg:s11], $0x5FFFF  }
0xb4: {  	[dreg:$0x1] =	wrdreg $0xFFFFFFFF  }
0xb5: {  	[dreg:$0x0] =	wrdreg $0x60  }
0xb6: {  	[dreg:$0x2] =	wrdreg s15  }
0xb7: {  	[dreg:$0x3] =	wrdreg s24  }
0xb8: {  	[dreg:$0x4] =	wrdreg s4  }
0xb9: {  	[dreg:$0x5] =	wrdreg s5  }
0xba: {  	[dreg:$0x6] =	wrdreg s16  }
0xbb: {  	[dreg:$0x7] =	wrdreg s17  }
0xbc: {  	[dreg:$0x8] =	wrdreg $0x9  }
0xbd: {  	_ =	task.clear_ibuf [dreg:s11], $0x9FFFF;
	_ =	strace $0x90000049  }
0xbe: {  	s29 =	simm.s32 $0x9;
	_ =	strace $0x8000004B  }
0xbf: {  	_ =	swait.ge [sflag:s29], $0x1  }
0xc0: {  	[sflag:s29] =	ssyncadd.s32 $0xFFFFFFFF  }
0xc1: {  	_ =	strace $0x9000004B  }
0xc2: {  	_ =	sfence  }
0xc3: {  	s30 =	sld [smem:$0x0];
	_ =	sdelay $0x2  }
0xc4: {  	s31 =	sshll.u32 s1, $0xD;
	s1 =	sshrl.u32 s1, $0x2  }
0xc5: {  	s3 =	sand.u32 $0x4000, s31;
	s1 =	sadd.s32 s1, s30  }
0xc6: {  	s0 =	sor.u32 s3, s0;
	s1 =	sshll.u32 s1, $0x11  }
0xc7: {  	s0 =	sor.u32 s1, s0  }
0xc8: {  	s0 =	sadd.s32 $0x8F2B, s0  }
0xc9: {  	[sflag:s0] =	ssyncadd.remote.s32 $0x1  }
0xca: {  	_ =	sfence.sel $0xFFFF  }
0xcb: {  	[dreg:$0x0] =	wrdreg $0xFFFFFFFF;
	(pc) =	sbr.abs _section_cstart, $3  }
0xcc: {  	[dreg:$0x1] =	wrdreg $0xFFFFFFFF  }
0xcd: {  	_ =	task.clear_ibuf [dreg:s11], $0x2FFFF;
	_ =	strace $0x9FFFFFFF  }
0xce: {  	(tm) =	ssettm $0x7FFFFFFF  }
0xcf: {  	_ =	shalt  }
tec
execute0_lowered:
.L_overlay_start_1:
0x0: {  	(tag) =	ssettag $0x1  }
0x1: {  	s1 =	rddreg [dreg:$0x0]  }
0x2: {  	s0 =	rddreg [dreg:$0x1]  }
0x3: {  	s3 =	rddreg [dreg:$0x3]  }
0x4: {  	s5 =	rddreg [dreg:$0x4]  }
0x5: {  	s6 =	rddreg [dreg:$0x5];
	s2 =	srdreg.scid  }
0x6: {  	s4 =	stileid.u32;
	s7 =	simm.s32 $0x0;
	s15 =	simm.s32 $0x5  }
0x7: {  	s28 =	simm.s32 $0x1A300;
	s29 =	simm.s32 $0x1A680;
	s30 =	simm.s32 $0x1AA00  }
0x8: {  	s2 =	sand.u32 $0x1, s2;
	s4 =	sshll.u32 s4, $0x1;
	[smem:$0x7FF] =	sst s7  }
0x9: {  	s8 =	sadd.s32 $0x1000, s0;
	s10 =	sadd.s32 $0x24B000, s0;
	s4 =	sor.u32 s2, s4  }
0xa: {  	s2 =	ssub.s32 $0x2, s2;
	s9 =	smul.u32 $0x30D40, s4;
	s4 =	sshll.u32 s4, $0x4  }
0xb: {  	s11 =	sadd.s32 $0x187A00, s0;
	s12 =	sshrl.u32 s2, $0x1;
	s0 =	sadd.s32 s4, s0  }
0xc: {  	_ =	strace $0x8000004A;
	s2 =	ssub.s32 s2, s12;
	s0 =	sadd.s32 $0x30E600, s0  }
0xd: {  	s13 =	sshrl.u32 s9, $0x3;
	s26 =	smax.u32 s2, $0x1;
	[dreg:$0xd] =	wrdreg s0  }
0xe: {  	s31 =	simm.s32 $0x1AD80;
	s21 =	sadd.s32 s8, s13;
	[dreg:$0xe] =	wrdreg s26  }
0xf: {  	s14 =	simm.s32 $0x0;
	s22 =	sadd.s32 s1, s13;
	[dreg:$0x7] =	wrdreg s21  }
0x10: {  	s2 =	simm.s32 $0x1;
	s23 =	sadd.s32 s3, s13;
	[dreg:$0x9] =	wrdreg s22  }
0x11: {  	s24 =	sadd.s32 s10, s13;
	s25 =	sadd.s32 s11, s13;
	[dreg:$0xa] =	wrdreg s23  }
0x12: {  	s0 =	simm.s32 $0x1B100;
	s13 =	simm.s32 $0x4;
	[dreg:$0xb] =	wrdreg s24  }
0x13: {  	s4 =	sadd.s32 $0xC3500, s21;
	[dreg:$0xc] =	wrdreg s25;
	s21 =	simm.s32 $0x19C00  }
0x14: {  	s22 =	simm.s32 $0x19F80;
	s23 =	simm.s32 $0x2;
	s24 =	simm.s32 $0x1B800  }
0x15: {  	v0 =	vimm.f32 $0.0e+00;
	s25 =	simm.s32 $0x1BB80;
	[dreg:$0x8] =	wrdreg s4;
	s4 =	simm.s32 $0x1B480  }
.LBB2_1:
0x16: {  	s12 =	rddreg [dreg:$0x2]  }
0x17: {  	[tilespmem:s7], [sflag:$0x5] =	stream.linear.gather [hbm4b:s12+s7], $0x18700, $0x38;
	[tilespmem:$0x1BF80] =	vst v63  }
0x18: {  	_ =	swait.ge [sflag:s15], $0x18700  }
0x19: {  	[sflag:s15] =	ssyncset.done $0x0  }
0x1a: {  	s17 =	simm.s32 $0x18700;
	s16 =	rddreg [dreg:$0x7];
	[sflag:s15] =	ssyncadd.s32 $0xFFFE7900  }
0x1b: {  	[tilespmem:s17], [sflag:$0x1] =	stream.linear.gather [hbm4b:s16+s7], $0x320, $0x38;
	[tilespmem:$0x1BF80] =	vst v63  }
0x1c: {  	s19 =	simm.s32 $0x18A80;
	s18 =	rddreg [dreg:$0x8]  }
0x1d: {  	[tilespmem:s19], [sflag:$0x1] =	stream.linear.gather [hbm4b:s18+s7], $0x320, $0x38;
	[tilespmem:$0x1BF80] =	vst v63  }
0x1e: {  	s26 =	simm.s32 $0x18E00;
	s20 =	rddreg [dreg:$0x9]  }
0x1f: {  	[tilespmem:s26], [sflag:$0x1] =	stream.linear.gather [hbm4b:s20+s7], $0x320, $0x38;
	[tilespmem:$0x1BF80] =	vst v63  }
0x20: {  	s16 =	rddreg [dreg:$0xa];
	s17 =	simm.s32 $0x19180  }
0x21: {  	[tilespmem:s17], [sflag:$0x1] =	stream.linear.gather [hbm4b:s16+s7], $0x320, $0x38;
	[tilespmem:$0x1BF80] =	vst v63  }
0x22: {  	s18 =	rddreg [dreg:$0xb];
	s19 =	simm.s32 $0x19500  }
0x23: {  	[tilespmem:s19], [sflag:$0x1] =	stream.linear.gather [hbm4b:s18+s7], $0x320, $0x38;
	[tilespmem:$0x1BF80] =	vst v63  }
0x24: {  	s15 =	simm.s32 $0x0;
	s20 =	rddreg [dreg:$0xc];
	s26 =	simm.s32 $0x19880  }
0x25: {  	v1 =	vimm.f32 $0.0e+00;
	[tilespmem:s26], [sflag:$0x1] =	stream.linear.gather [hbm4b:s20+s7], $0x320, $0x38;
	[tilespmem:$0x1BF80] =	vst v63  }
.LBB2_2:
0x26: {  	s12 =	smul.u32 $0x640, s15;
	_ =	sdelay $0x1  }
0x27: {  	s17 =	sadd.s32 s9, s12  }
0x28: {  	s18 =	sshrl.u32 s17, $0x3  }
0x29: {  	s16 =	sadd.s32 $0x64, s18  }
0x2a: {  	s20 =	sadd.s32 s8, s18;
	s19 =	sadd.s32 s8, s16  }
0x2b: {  	[tilespmem:s28], [sflag:$0x2] =	stream.linear.gather [hbm4b:s19+s7], $0x320, $0x38;
	[tilespmem:$0x1BF80] =	vst v63  }
0x2c: {  	s12 =	sadd.s32 $0xC3564, s20  }
0x2d: {  	[tilespmem:s29], [sflag:$0x2] =	stream.linear.gather [hbm4b:s12+s7], $0x320, $0x38;
	[tilespmem:$0x1BF80] =	vst v63  }
0x2e: {  	s26 =	sadd.s32 s1, s16  }
0x2f: {  	[tilespmem:s30], [sflag:$0x2] =	stream.linear.gather [hbm4b:s26+s7], $0x320, $0x38;
	[tilespmem:$0x1BF80] =	vst v63  }
0x30: {  	s19 =	sadd.s32 s3, s16  }
0x31: {  	[tilespmem:s31], [sflag:$0x2] =	stream.linear.gather [hbm4b:s19+s7], $0x320, $0x38;
	[tilespmem:$0x1BF80] =	vst v63  }
0x32: {  	s20 =	sadd.s32 s10, s16  }
0x33: {  	[tilespmem:s0], [sflag:$0x2] =	stream.linear.gather [hbm4b:s20+s7], $0x320, $0x38;
	[tilespmem:$0x1BF80] =	vst v63  }
0x34: {  	s26 =	sadd.s32 s11, s16  }
0x35: {  	[tilespmem:s4], [sflag:$0x2] =	stream.linear.gather [hbm4b:s26+s7], $0x320, $0x38;
	[tilespmem:$0x1BF80] =	vst v63  }
0x36: {  	_ =	swait.ge [sflag:s2], $0x320  }
0x37: {  	[sflag:s2] =	ssyncset.done $0x0  }
0x38: {  	[sflag:s2] =	ssyncadd.s32 $0xFFFFFCE0  }
0x39: {  	_ =	swait.ge [sflag:s2], $0x320  }
0x3a: {  	[sflag:s2] =	ssyncset.done $0x0  }
0x3b: {  	[sflag:s2] =	ssyncadd.s32 $0xFFFFFCE0  }
0x3c: {  	_ =	swait.ge [sflag:s2], $0x320  }
0x3d: {  	[sflag:s2] =	ssyncset.done $0x0  }
0x3e: {  	[sflag:s2] =	ssyncadd.s32 $0xFFFFFCE0  }
0x3f: {  	_ =	swait.ge [sflag:s2], $0x320  }
0x40: {  	[sflag:s2] =	ssyncset.done $0x0  }
0x41: {  	[sflag:s2] =	ssyncadd.s32 $0xFFFFFCE0  }
0x42: {  	_ =	swait.ge [sflag:s2], $0x320  }
0x43: {  	[sflag:s2] =	ssyncset.done $0x0  }
0x44: {  	[sflag:s2] =	ssyncadd.s32 $0xFFFFFCE0  }
0x45: {  	_ =	swait.ge [sflag:s2], $0x320  }
0x46: {  	p0 =	seq.s32 s15, $0x0;
	[sflag:s2] =	ssyncset.done $0x0  }
0x47: {  	s12 =	simm.s32 @!p0 $0x3;
	[sflag:s2] =	ssyncadd.s32 $0xFFFFFCE0  }
0x48: {  	_ =	swait.ge @!p0 [sflag:s12], $0x320  }
0x49: {  	[sflag:s12] =	ssyncset.done @!p0 $0x0  }
0x4a: {  	[sflag:s12] =	ssyncadd.s32 @!p0 $0xFFFFFCE0  }
0x4b: {  	_ =	swait.ge @!p0 [sflag:s12], $0x320  }
0x4c: {  	[sflag:s12] =	ssyncset.done @!p0 $0x0  }
0x4d: {  	s19 =	simm.s32 $0x0;
	[sflag:s12] =	ssyncadd.s32 @!p0 $0xFFFFFCE0  }
0x4e: {  	v2 =	vld [tilespmem:s19+$0x18E00];
	_ =	sdelay $0x4  }
0x4f: {  	v3 =	vadd.f32 $9.999999970e-07, v2;
	_ =	sdelay $0x1  }
0x50: {  	v8 =	vld [tilespmem:s19+$0x19180];
	v2 =	vand.u32 $0x7FFFFFFF, v3  }
0x51: {  	v4 =	vand.u32 $0x7FFFFF, v2  }
0x52: {  	v4 =	vor.u32 $0x3F800000, v4  }
0x53: {  	v5 =	vmul.f32 $5.000000000e-01, v4  }
0x54: {  	vm2 =	vge.f32 v4, $1.414213540e+00  }
0x55: {  	v4 =	vsel vm2, v5, v4;
	v5 =	vand.u32 $0x7FFFFF, v8  }
0x56: {  	v6 =	vadd.f32 $-1.000000000e+00, v4;
	v4 =	vor.u32 $0x3F800000, v5  }
0x57: {  	v5 =	vld [tilespmem:s19+$0x18E10];
	v7 =	vmul.f32 $5.000000000e-01, v4  }
0x58: {  	v10 =	vld [tilespmem:s19+$0x19190];
	vm1 =	vge.f32 v4, $1.414213540e+00;
	v9 =	vmul.f32 $2.527157070e-01, v6  }
0x59: {  	v4 =	vsel vm1, v7, v4  }
0x5a: {  	v7 =	vadd.f32 $-3.867956700e-01, v9;
	v9 =	vadd.f32 $-1.000000000e+00, v4;
	_ =	sdelay $0x1  }
0x5b: {  	v4 =	vadd.f32 $9.999999970e-07, v5;
	v7 =	vmul.f32 v7, v6;
	v5 =	vmul.f32 $2.527157070e-01, v9  }
0x5c: {  	v12 =	vand.u32 $0x7FFFFF, v10  }
0x5d: {  	v23 =	vld [tilespmem:s19+$0x18A80];
	v12 =	vor.u32 $0x3F800000, v12;
	v7 =	vadd.f32 $4.847836200e-01, v7;
	v5 =	vadd.f32 $-3.867956700e-01, v5  }
0x5e: {  	v24 =	vld [tilespmem:s19+$0x18700];
	v14 =	vshrl.u32 v8, $0x17;
	v15 =	vmul.f32 $5.000000000e-01, v12;
	v2 =	vshrl.u32 v2, $0x17  }
0x5f: {  	v11 =	vand.u32 $0x7FFFFFFF, v4;
	v7 =	vmul.f32 v7, v6;
	v5 =	vmul.f32 v5, v9  }
0x60: {  	vm0 =	vge.f32 v12, $1.414213540e+00;
	v2 =	vadd.s32 $0xFFFFFF81, v2;
	v13 =	vand.u32 $0x7FFFFF, v11  }
0x61: {  	v13 =	vor.u32 $0x3F800000, v13;
	v7 =	vadd.f32 $-7.207758430e-01, v7;
	v5 =	vadd.f32 $4.847836200e-01, v5  }
0x62: {  	v12 =	vsel vm0, v15, v12;
	v2 =	vcvt.s32.f32 v2;
	v15 =	vmul.f32 $5.000000000e-01, v13  }
0x63: {  	v17 =	vsel vm0, $0x3F800000, v0;
	v7 =	vmul.f32 v7, v6;
	v5 =	vmul.f32 v5, v9  }
0x64: {  	v12 =	vadd.f32 $-1.000000000e+00, v12;
	v16 =	vsel vm2, $0x3F800000, v0;
	vm2 =	vge.f32 v13, $1.414213540e+00  }
0x65: {  	v23 =	vld.idx.msk [tilespmem:v23+s7+$0x0], $0xffff;
	v13 =	vsel vm2, v15, v13;
	v7 =	vadd.f32 $1.442659260e+00, v7;
	v5 =	vadd.f32 $-7.207758430e-01, v5  }
0x66: {  	v24 =	vld.idx.msk [tilespmem:v24+s7+$0x0], $0xffff;
	v2 =	vadd.f32 v2, v16;
	v15 =	vmul.f32 $2.527157070e-01, v12;
	v13 =	vadd.f32 $-1.000000000e+00, v13  }
0x67: {  	v16 =	vld [tilespmem:s19+$0x19500];
	v6 =	vmul.f32 v7, v6;
	v7 =	vand.u32 $0xFF, v14;
	v5 =	vmul.f32 v5, v9  }
0x68: {  	v14 =	vadd.f32 $-3.867956700e-01, v15;
	v15 =	vmul.f32 $2.527157070e-01, v13;
	v7 =	vadd.s32 $0xFFFFFF81, v7  }
0x69: {  	v2 =	vadd.f32 v6, v2;
	v7 =	vcvt.s32.f32 v7;
	v5 =	vadd.f32 $1.442659260e+00, v5  }
0x6a: {  	v6 =	vmul.f32 v14, v12;
	v14 =	vsel vm1, $0x3F800000, v0;
	v15 =	vadd.f32 $-3.867956700e-01, v15  }
0x6b: {  	v2 =	vmul.f32 $1.283708570e+00, v2;
	v7 =	vadd.f32 v7, v14;
	v5 =	vmul.f32 v5, v9  }
0x6c: {  	v23 =	vsub.f32 v23, v24;
	vm1 =	veq.f32 v16, $0.0e+00;
	v6 =	vadd.f32 $4.847836200e-01, v6  }
0x6d: {  	s12 =	simm.s32 $0x20;
	v9 =	vmul.f32 v15, v13;
	v2 =	vmul.f32 $1.442695020e+00, v2;
	v5 =	vadd.f32 v5, v7  }
0x6e: {  	v16 =	vand.u32 $0x80000000, v3;
	v3 =	vld [tilespmem:s12+$0x19180];
	v6 =	vmul.f32 v6, v12;
	v7 =	vshrl.u32 v10, $0x17  }
0x6f: {  	v9 =	vadd.f32 $4.847836200e-01, v9;
	(erf) = vpow2.f32 v2;
	v5 =	vmul.f32 $1.283708570e+00, v5  }
0x70: {  	v11 =	vshrl.u32 v11, $0x17;
	v2 =	vand.u32 $0xFF, v7;
	v6 =	vadd.f32 $-7.207758430e-01, v6;
	v7 =	vld [tilespmem:s19+$0x19510]  }
0x71: {  	v27 =	vsel vm1, $0x3F800000, v0;
	v9 =	vmul.f32 v9, v13;
	v5 =	vmul.f32 $1.442695020e+00, v5  }
0x72: {  	v14 =	vld [tilespmem:s19+$0x19890];
	v15 =	vsel vm2, $0x3F800000, v0;
	v53 =	vmul.f32 v27, v23;
	v6 =	vmul.f32 v6, v12  }
0x73: {  	v18 =	vld [tilespmem:s19+$0x19880];
	v22 =	vand.u32 $0x7FFFFF, v3;
	v9 =	vadd.f32 $-7.207758430e-01, v9;
	(erf) = vpow2.f32 v5  }
0x74: {  	v2 =	vadd.s32 $0xFFFFFF81, v2;
	v19 =	vadd.f32 $1.442659260e+00, v6;
	v5 =	vadd.s32 $0xFFFFFF81, v11;
	v11 =	vld [tilespmem:s12+$0x18E10]  }
0x75: {  	v9 =	vmul.f32 v9, v13;
	vm0 =	veq.f32 v7, $0.0e+00;
	v7 =	vcvt.s32.f32 v2;
	v2 =	vld [tilespmem:s12+$0x19190]  }
0x76: {  	v22 =	vor.u32 $0x3F800000, v22;
	v20 =	vcvt.s32.f32 v5;
	v12 =	vmul.f32 v19, v12;
	v19 =	vld [tilespmem:s12+$0x18E00]  }
0x77: {  	v28 =	vmul.f32 $5.000000000e-01, v22;
	v6 =	vand.u32 $0x7FFFFFFF, v14;
	v9 =	vadd.f32 $1.442659260e+00, v9  }
0x78: {  	v5 =	vsel vm0, $0x3F800000, v0;
	v14 =	vadd.f32 v20, v15;
	v15 =	vadd.f32 v7, v17;
	v17 =	vpop (erf)  }
0x79: {  	v7 =	vadd.f32 $9.999999970e-07, v11;
	v16 =	vor.u32 v17, v16;
	v17 =	vand.u32 $0x80000000, v10  }
0x7a: {  	v10 =	vmul.f32 v9, v13;
	v9 =	vand.u32 $0x80000000, v8;
	v8 =	vshrl.u32 v2, $0x17  }
0x7b: {  	v11 =	vand.u32 $0x7FFFFFFF, v18;
	v21 =	vand.u32 $0xFF, v8;
	v8 =	vadd.f32 $9.999999970e-07, v19  }
0x7c: {  	v12 =	vadd.f32 v12, v15;
	v13 =	vmul.f32 v16, v11;
	v19 =	vshrl.u32 v3, $0x17;
	v20 =	vpop (erf)  }
0x7d: {  	v20 =	vor.u32 v20, v9;
	v9 =	vand.u32 $0xFF, v19;
	v19 =	vand.u32 $0x7FFFFFFF, v8  }
0x7e: {  	v15 =	vand.u32 $0x7FFFFFFF, v7;
	v16 =	vand.u32 $0x7FFFFF, v2;
	v26 =	vand.u32 $0x7FFFFF, v19  }
0x7f: {  	v25 =	vadd.s32 $0xFFFFFF81, v9;
	v9 =	vadd.s32 $0xFFFFFF81, v21;
	v21 =	vor.u32 $0x3F800000, v26  }
0x80: {  	v12 =	vmul.f32 $1.283708570e+00, v12;
	v18 =	vand.u32 $0x7FFFFF, v15;
	v26 =	vmul.f32 $5.000000000e-01, v21  }
0x81: {  	v16 =	vor.u32 $0x3F800000, v16;
	v14 =	vadd.f32 v10, v14;
	vm2 =	vge.f32 v21, $1.414213540e+00  }
0x82: {  	v15 =	vshrl.u32 v15, $0x17;
	v12 =	vmul.f32 $1.442695020e+00, v12;
	v21 =	vsel vm2, v26, v21  }
0x83: {  	v48 =	vsel vm2, $0x3F800000, v0;
	vm2 =	vge.f32 v22, $1.414213540e+00;
	v21 =	vadd.f32 $-1.000000000e+00, v21  }
0x84: {  	v13 =	vmul.f32 v13, v27;
	v18 =	vor.u32 $0x3F800000, v18;
	v22 =	vsel vm2, v28, v22  }
0x85: {  	v10 =	vmul.f32 $5.000000000e-01, v18;
	v22 =	vadd.f32 $-1.000000000e+00, v22;
	v49 =	vmul.f32 $2.527157070e-01, v21  }
0x86: {  	v19 =	vshrl.u32 v19, $0x17;
	v20 =	vmul.f32 v20, v11;
	(erf) = vpow2.f32 v12  }
0x87: {  	[tilespmem:s19+$0x19C00] =	vst v13;
	v19 =	vadd.s32 $0xFFFFFF81, v19;
	v51 =	vmul.f32 $2.527157070e-01, v22;
	v13 =	vadd.f32 $-3.867956700e-01, v49  }
0x88: {  	v30 =	vld [tilespmem:s19+$0x18710];
	v19 =	vcvt.s32.f32 v19;
	v50 =	vsel vm2, $0x3F800000, v0;
	vm2 =	vge.f32 v18, $1.414213540e+00  }
0x89: {  	v10 =	vsel vm2, v10, v18;
	v18 =	vld [tilespmem:s19+$0x18A90];
	v12 =	vmul.f32 v13, v21;
	v13 =	vadd.f32 $-3.867956700e-01, v51  }
0x8a: {  	v29 =	vmul.f32 $5.000000000e-01, v16;
	v62 =	vmul.f32 $1.283708570e+00, v14;
	v20 =	vsub.f32 v23, v20  }
0x8b: {  	v19 =	vadd.f32 v19, v48;
	v52 =	vadd.f32 $4.847836200e-01, v12;
	v13 =	vmul.f32 v13, v22  }
0x8c: {  	v11 =	vsel vm2, $0x3F800000, v0;
	vm2 =	vge.f32 v16, $1.414213540e+00;
	v10 =	vadd.f32 $-1.000000000e+00, v10  }
0x8d: {  	v12 =	vsel vm2, v29, v16;
	v24 =	vmul.f32 v52, v21;
	v54 =	vadd.f32 $4.847836200e-01, v13  }
0x8e: {  	v20 =	vand.u32 $0x7FFFFFFF, v20;
	v31 =	vmul.f32 $2.527157070e-01, v10;
	v12 =	vadd.f32 $-1.000000000e+00, v12  }
0x8f: {  	[tilespmem:s19+$0x19F80] =	vst v53;
	v16 =	vand.u32 $0x7FFFFFFF, v23;
	v24 =	vadd.f32 $-7.207758430e-01, v24;
	v56 =	vmul.f32 v54, v22  }
0x90: {  	v60 =	vadd.f32 $-3.867956700e-01, v31;
	v23 =	vld.idx.msk [tilespmem:v30+s7+$0x0], $0xffff;
	v55 =	vadd.f32 $9.999999770e-03, v16;
	v32 =	vmul.f32 $2.527157070e-01, v12  }
0x91: {  	v58 =	vpop (erf);
	v18 =	vld.idx.msk [tilespmem:v18+s7+$0x0], $0xffff;
	vm4 =	vgt.f32 v16, $1.000000050e-03;
	v24 =	vmul.f32 v24, v21;
	v26 =	vadd.f32 $-7.207758430e-01, v56  }
0x92: {  	v16 =	vor.u32 v58, v17;
	v29 =	vmul.f32 $9.999999770e-03, v55;
	v57 =	vadd.f32 $-3.867956700e-01, v32  }
0x93: {  	v13 =	vsel vm2, $0x3F800000, v0;
	v17 =	vadd.f32 $1.442659260e+00, v24;
	v59 =	vmul.f32 v26, v22  }
0x94: {  	vm2 =	vgt.f32 v20, $9.999999770e-03;
	vm3 =	vgt.f32 v20, v29;
	v27 =	vmul.f32 v57, v12  }
0x95: {  	v20 =	vcvt.s32.f32 v25;
	v17 =	vmul.f32 v17, v21;
	v21 =	vadd.f32 $1.442659260e+00, v59  }
0x96: {  	v16 =	vmul.f32 v16, v6;
	v18 =	vsub.f32 v18, v23;
	v27 =	vadd.f32 $4.847836200e-01, v27  }
0x97: {  	v17 =	vadd.f32 v17, v19;
	v19 =	vadd.f32 v20, v50;
	v20 =	vmul.f32 v21, v22  }
0x98: {  	vm5 =	vmand vm2, vm3;
	v16 =	vsub.f32 v18, v16;
	v61 =	vmul.f32 v27, v12  }
0x99: {  	v21 =	vand.u32 $0x7FFFFFFF, v18;
	v17 =	vmul.f32 $1.283708570e+00, v17;
	v19 =	vadd.f32 v20, v19  }
0x9a: {  	v18 =	vmul.f32 v5, v18;
	v22 =	vmul.f32 v60, v10;
	v23 =	vadd.f32 $-7.207758430e-01, v61  }
0x9b: {  	v20 =	vadd.f32 $9.999999770e-03, v21;
	v14 =	vmul.f32 $1.442695020e+00, v17;
	v17 =	vmul.f32 $1.283708570e+00, v19  }
0x9c: {  	v24 =	vmul.f32 $1.442695020e+00, v62;
	v19 =	vadd.f32 $4.847836200e-01, v22;
	v22 =	vmul.f32 v23, v12  }
0x9d: {  	vm4 =	vmand vm4, vm5;
	[tilespmem:s19+$0x19F90] =	vst v18;
	v20 =	vmul.f32 $9.999999770e-03, v20;
	v23 =	vmul.f32 $1.442695020e+00, v17  }
0x9e: {  	(erf) = vpow2.f32 v14;
	v14 =	vand.u32 $0x7FFFFFFF, v16;
	v16 =	vld [tilespmem:s12+$0x19510];
	v63 =	vmul.f32 v19, v10  }
0x9f: {  	vm2 =	vgt.f32 v21, $1.000000050e-03;
	v17 =	vld [tilespmem:s12+$0x19890];
	v18 =	vadd.f32 $1.442659260e+00, v22;
	(erf) = vpow2.f32 v23  }
0xa0: {  	s20 =	simm.s32 $0x100;
	v19 =	vld [tilespmem:s12+$0x19500];
	vm3 =	vgt.f32 v14, v20;
	v20 =	vadd.f32 $-7.207758430e-01, v63;
	(erf) = vpow2.f32 v24  }
.LBB2_3:
0xa1: {  	v15 =	vadd.s32 $0xFFFFFF81, v15;
	v22 =	vand.u32 $0x80000000, v4  }
0xa2: {  	s26 =	sshra.s32 s20, $0x2;
	p1 =	sne.s32 s20, $0xC00;
	s20 =	sadd.s32 $0x80, s20;
	v21 =	vld [tilespmem:s12+$0x19880];
	vm6 =	vgt.f32 v14, $9.999999770e-03;
	v4 =	vmovc v7;
	vm5 =	vmmov vm0;
	vm7 =	vmmov vm1  }
0xa3: {  	v7 =	vld [tilespmem:s26+$0x18E10];
	v14 =	vcvt.s32.f32 v15;
	v15 =	vmul.f32 v20, v10;
	vm0 =	veq.f32 v16, $0.0e+00  }
0xa4: {  	v9 =	vcvt.s32.f32 v9;
	v16 =	vand.u32 $0x7FFFFFFF, v17;
	v17 =	vsel vm0, $0x3F800000, v0  }
0xa5: {  	v20 =	vld [tilespmem:s26+$0x19190];
	vm1 =	veq.f32 v19, $0.0e+00;
	v11 =	vadd.f32 v14, v11;
	v15 =	vadd.f32 $1.442659260e+00, v15  }
0xa6: {  	vm4 =	vmand vm7, vm4;
	v9 =	vadd.f32 v9, v13;
	v14 =	vand.u32 $0x80000000, v2  }
0xa7: {  	v2 =	vand.u32 $0x80000000, v8;
	v19 =	vmul.f32 v18, v12;
	v13 =	vld [tilespmem:s26+$0x19180];
	v10 =	vmul.f32 v15, v10;
	v12 =	vpop (erf)  }
0xa8: {  	v18 =	vand.u32 $0x7FFFFFFF, v21;
	v15 =	vld [tilespmem:s26+$0x18E00];
	v7 =	vadd.f32 $9.999999970e-07, v7;
	v2 =	vor.u32 v12, v2  }
0xa9: {  	v3 =	vand.u32 $0x80000000, v3;
	v9 =	vadd.f32 v19, v9;
	v12 =	vmul.f32 v2, v18;
	v8 =	vpop (erf)  }
0xaa: {  	v19 =	vand.u32 $0x7FFFFFFF, v7;
	v26 =	vshrl.u32 v20, $0x17;
	v21 =	vand.u32 $0x7FFFFF, v20;
	v23 =	vpop (erf)  }
0xab: {  	v24 =	vand.u32 $0x7FFFFF, v19;
	v25 =	vand.u32 $0xFF, v26;
	v21 =	vor.u32 $0x3F800000, v21;
	v2 =	vmovc v20  }
0xac: {  	v27 =	vor.u32 v8, v3;
	v20 =	vshrl.u32 v13, $0x17;
	v26 =	vand.u32 $0x7FFFFF, v13;
	v3 =	vmovc v13  }
0xad: {  	v8 =	vadd.f32 $9.999999970e-07, v15;
	v13 =	vand.u32 $0xFF, v20;
	v15 =	vmul.f32 $1.283708570e+00, v9  }
0xae: {  	v28 =	vsel vm1, $0x3F800000, v0;
	v20 =	vadd.s32 $0xFFFFFF81, v13;
	v13 =	vor.u32 $0x3F800000, v26;
	v26 =	vld [tilespmem:s12+$0x18A80]  }
0xaf: {  	v9 =	vadd.s32 $0xFFFFFF81, v25;
	v29 =	vand.u32 $0x7FFFFFFF, v8;
	v25 =	vld [tilespmem:s12+$0x18700];
	v15 =	vmul.f32 $1.442695020e+00, v15  }
0xb0: {  	v22 =	vor.u32 v23, v22;
	v30 =	vshrl.u32 v29, $0x17;
	v29 =	vand.u32 $0x7FFFFF, v29  }
0xb1: {  	v22 =	vmul.f32 v22, v6;
	v6 =	vmovc v16;
	v23 =	vor.u32 $0x3F800000, v29;
	v29 =	vmul.f32 $5.000000000e-01, v13  }
0xb2: {  	v31 =	vmul.f32 $5.000000000e-01, v21;
	v16 =	vadd.s32 $0xFFFFFF81, v30;
	v30 =	vmul.f32 $5.000000000e-01, v23  }
0xb3: {  	v22 =	vmul.f32 v22, v5;
	v5 =	vmovc v17;
	vm7 =	vge.f32 v23, $1.414213540e+00;
	v16 =	vcvt.s32.f32 v16  }
0xb4: {  	v12 =	vmul.f32 v12, v28;
	v17 =	vsel vm7, v30, v23;
	v23 =	vsel vm7, $0x3F800000, v0  }
0xb5: {  	vm3 =	vmand vm6, vm3;
	vm7 =	vge.f32 v13, $1.414213540e+00;
	v16 =	vadd.f32 v16, v23;
	[tilespmem:s19+$0x19C10] =	vst v22;
	s19 =	smov.u32 s12;
	s12 =	smov.u32 s26  }
0xb6: {  	v17 =	vadd.f32 $-1.000000000e+00, v17;
	v13 =	vsel vm7, v29, v13;
	v22 =	vsel vm7, $0x3F800000, v0;
	v23 =	vld.idx.msk [tilespmem:v26+s7+$0x0], $0xffff  }
0xb7: {  	vm2 =	vmand vm2, vm3;
	v24 =	vor.u32 $0x3F800000, v24;
	v26 =	vadd.f32 v10, v11;
	v25 =	vld.idx.msk [tilespmem:v25+s7+$0x0], $0xffff  }
0xb8: {  	v29 =	vadd.f32 $-1.000000000e+00, v13;
	v11 =	vmul.f32 $5.000000000e-01, v24;
	v10 =	vmul.f32 $2.527157070e-01, v17;
	[tilespmem:s19+$0x19C00] =	vst v12  }
0xb9: {  	vm2 =	vmand vm5, vm2;
	v18 =	vmul.f32 v27, v18;
	vm3 =	vge.f32 v24, $1.414213540e+00  }
0xba: {  	vm2 =	vmor vm2, vm4;
	v12 =	vmul.f32 $2.527157070e-01, v29;
	v10 =	vadd.f32 $-3.867956700e-01, v10;
	v27 =	vld [tilespmem:s19+$0x18710]  }
0xbb: {  	v1 =	vsel vm2, $0x3F800000, v1;
	v11 =	vsel vm3, v11, v24;
	v24 =	vld [tilespmem:s19+$0x18A90];
	(erf) = vpow2.f32 v15  }
0xbc: {  	v12 =	vadd.f32 $-3.867956700e-01, v12;
	v13 =	vmul.f32 v10, v17;
	v10 =	vadd.f32 $-1.000000000e+00, v11  }
0xbd: {  	vm2 =	vge.f32 v21, $1.414213540e+00;
	v11 =	vsel vm3, $0x3F800000, v0;
	v15 =	vsub.f32 v23, v25  }
0xbe: {  	v23 =	vmul.f32 v12, v29;
	v12 =	vsel vm2, v31, v21;
	v13 =	vadd.f32 $4.847836200e-01, v13  }
0xbf: {  	v12 =	vadd.f32 $-1.000000000e+00, v12;
	v21 =	vand.u32 $0x7FFFFFFF, v15;
	v25 =	vmul.f32 v28, v15  }
0xc0: {  	v23 =	vadd.f32 $4.847836200e-01, v23;
	v28 =	vmul.f32 v13, v17;
	v30 =	vadd.f32 $9.999999770e-03, v21  }
0xc1: {  	v31 =	vmul.f32 $2.527157070e-01, v10;
	v13 =	vsel vm2, $0x3F800000, v0;
	v32 =	vmul.f32 $2.527157070e-01, v12;
	[tilespmem:s19+$0x19F80] =	vst v25  }
0xc2: {  	v18 =	vsub.f32 v15, v18;
	v23 =	vmul.f32 v23, v29;
	v25 =	vadd.f32 $-7.207758430e-01, v28;
	v27 =	vld.idx.msk [tilespmem:v27+s7+$0x0], $0xffff  }
0xc3: {  	v15 =	vshrl.u32 v19, $0x17;
	v19 =	vadd.f32 $-3.867956700e-01, v32;
	v28 =	vmul.f32 $9.999999770e-03, v30;
	v24 =	vld.idx.msk [tilespmem:v24+s7+$0x0], $0xffff  }
0xc4: {  	v18 =	vand.u32 $0x7FFFFFFF, v18;
	v23 =	vadd.f32 $-7.207758430e-01, v23;
	v25 =	vmul.f32 v25, v17;
	v30 =	vpop (erf)  }
0xc5: {  	vm4 =	vgt.f32 v21, $1.000000050e-03;
	v19 =	vmul.f32 v19, v12;
	v14 =	vor.u32 v30, v14  }
0xc6: {  	vm2 =	vgt.f32 v18, $9.999999770e-03;
	v23 =	vmul.f32 v23, v29;
	v21 =	vadd.f32 $1.442659260e+00, v25  }
0xc7: {  	vm3 =	vgt.f32 v18, v28;
	v25 =	vadd.f32 $-3.867956700e-01, v31;
	v19 =	vadd.f32 $4.847836200e-01, v19  }
0xc8: {  	v18 =	vcvt.s32.f32 v20;
	v20 =	vadd.f32 $1.442659260e+00, v23;
	v17 =	vmul.f32 v21, v17  }
0xc9: {  	v14 =	vmul.f32 v14, v6;
	v19 =	vmul.f32 v19, v12;
	v21 =	vsub.f32 v24, v27  }
0xca: {  	v16 =	vadd.f32 v17, v16;
	v17 =	vadd.f32 v18, v22;
	v18 =	vmul.f32 v20, v29  }
0xcb: {  	v14 =	vsub.f32 v21, v14;
	v20 =	vand.u32 $0x7FFFFFFF, v21;
	v21 =	vmul.f32 v5, v21  }
0xcc: {  	v16 =	vmul.f32 $1.283708570e+00, v16;
	v17 =	vadd.f32 v18, v17;
	v18 =	vadd.f32 $9.999999770e-03, v20  }
0xcd: {  	v23 =	vmul.f32 $1.283708570e+00, v26;
	v22 =	vmul.f32 v25, v10;
	v19 =	vadd.f32 $-7.207758430e-01, v19;
	[tilespmem:s19+$0x19F90] =	vst v21  }
0xce: {  	vm5 =	vmand vm2, vm3;
	v21 =	vmul.f32 $1.442695020e+00, v16;
	v16 =	vmul.f32 $1.283708570e+00, v17  }
.Ltmp0:
0xcf: {  	v22 =	vadd.f32 $4.847836200e-01, v22;
	v24 =	vmul.f32 v19, v12;
	v18 =	vmul.f32 $9.999999770e-03, v18;
	(pc) =	sbr.rel @p1 .LBB2_3-.Ltmp0, $4  }
0xd0: {  	v14 =	vand.u32 $0x7FFFFFFF, v14;
	v25 =	vmul.f32 $1.442695020e+00, v16;
	v16 =	vld [tilespmem:s12+$0x19510];
	(erf) = vpow2.f32 v21  }
0xd1: {  	vm3 =	vgt.f32 v14, v18;
	v21 =	vmul.f32 v22, v10;
	v22 =	vmul.f32 $1.442695020e+00, v23;
	v17 =	vld [tilespmem:s12+$0x19890]  }
0xd2: {  	vm2 =	vgt.f32 v20, $1.000000050e-03;
	v18 =	vadd.f32 $1.442659260e+00, v24;
	v19 =	vld [tilespmem:s12+$0x19500];
	(erf) = vpow2.f32 v25  }
0xd3: {  	vm4 =	vmand vm4, vm5;
	v20 =	vadd.f32 $-7.207758430e-01, v21;
	(erf) = vpow2.f32 v22  }
0xd4: {  	_ =	sdelay $0x5  }
0xd5: {  	v21 =	vld [tilespmem:s12+$0x19880];
	v22 =	vpop (erf)  }
0xd6: {  	v24 =	vld [tilespmem:s12+$0x18A80];
	v23 =	vpop (erf)  }
0xd7: {  	v4 =	vand.u32 $0x80000000, v4;
	v26 =	vld [tilespmem:s12+$0x18700];
	v25 =	vpop (erf)  }
0xd8: {  	v15 =	vadd.s32 $0xFFFFFF81, v15;
	v9 =	vcvt.s32.f32 v9;
	v4 =	vor.u32 v25, v4  }
0xd9: {  	v8 =	vand.u32 $0x80000000, v8;
	v20 =	vmul.f32 v20, v10;
	v4 =	vmul.f32 v4, v6  }
0xda: {  	v15 =	vcvt.s32.f32 v15;
	vm5 =	veq.f32 v19, $0.0e+00;
	v19 =	vand.u32 $0x7FFFFFFF, v21  }
0xdb: {  	v8 =	vor.u32 v22, v8;
	v6 =	vadd.f32 $1.442659260e+00, v20;
	v4 =	vmul.f32 v4, v5  }
0xdc: {  	v8 =	vmul.f32 v8, v19;
	v5 =	vadd.f32 v9, v13;
	v9 =	vmul.f32 v18, v12  }
0xdd: {  	v11 =	vadd.f32 v15, v11;
	v6 =	vmul.f32 v6, v10;
	v10 =	vsel vm5, $0x3F800000, v0;
	[tilespmem:s19+$0x19C10] =	vst v4  }
0xde: {  	v4 =	vadd.f32 v9, v5;
	v5 =	vmul.f32 v8, v10;
	v8 =	vld.idx.msk [tilespmem:v24+s7+$0x0], $0xffff  }
0xdf: {  	v6 =	vadd.f32 v6, v11;
	v9 =	vld.idx.msk [tilespmem:v26+s7+$0x0], $0xffff  }
0xe0: {  	v4 =	vmul.f32 $1.283708570e+00, v4  }
0xe1: {  	[tilespmem:s12+$0x19C00] =	vst v5;
	v5 =	vld [tilespmem:s12+$0x18710];
	v6 =	vmul.f32 $1.283708570e+00, v6  }
0xe2: {  	v11 =	vld [tilespmem:s12+$0x18A90];
	v4 =	vmul.f32 $1.442695020e+00, v4  }
0xe3: {  	v6 =	vmul.f32 $1.442695020e+00, v6  }
0xe4: {  	(erf) = vpow2.f32 v4;
	v4 =	vsub.f32 v8, v9  }
0xe5: {  	(erf) = vpow2.f32 v6  }
0xe6: {  	v6 =	vmul.f32 v10, v4;
	_ =	sdelay $0x1  }
0xe7: {  	[tilespmem:s12+$0x19F80] =	vst v6  }
0xe8: {  	v5 =	vld.idx.msk [tilespmem:v5+s7+$0x0], $0xffff  }
0xe9: {  	v6 =	vld.idx.msk [tilespmem:v11+s7+$0x0], $0xffff;
	_ =	sdelay $0x2  }
0xea: {  	v9 =	vpop (erf)  }
0xeb: {  	v7 =	vand.u32 $0x80000000, v7;
	vm6 =	veq.f32 v16, $0.0e+00;
	v8 =	vpop (erf)  }
0xec: {  	v10 =	vand.u32 $0x7FFFFFFF, v17;
	v5 =	vsub.f32 v6, v5;
	v6 =	vor.u32 v8, v7  }
0xed: {  	v7 =	vsel vm6, $0x3F800000, v0;
	v6 =	vmul.f32 v6, v10  }
0xee: {  	v8 =	vmul.f32 v7, v5  }
0xef: {  	v6 =	vmul.f32 v6, v7  }
0xf0: {  	p1 =	seq.s32 s15, $0x7C;
	[tilespmem:s12+$0x19F90] =	vst v8  }
0xf1: {  	s20 =	sadd.s32 s5, s18;
	[tilespmem:s12+$0x19C10] =	vst v6;
	s12 =	sshrl.u32 @!p1 s17, $0x3  }
0xf2: {  	[hbm4b:s20+s7] =	stream.linear.scatter [tilespmem:s21], [sflag:$0x3], $0x320, $0x38;
	[tilespmem:$0x1BF80] =	vst v63  }
0xf3: {  	s26 =	sadd.s32 s6, s18;
	s19 =	simm.s32 @!p1 $0x0;
	s17 =	sadd.s32 @!p1 $0xC8, s12  }
0xf4: {  	[hbm4b:s26+s7] =	stream.linear.scatter [tilespmem:s22], [sflag:$0x3], $0x320, $0x38;
	[tilespmem:$0x1BF80] =	vst v63  }
0xf5: {  	s20 =	simm.s32 @!p1 $0x18700;
	s12 =	sadd.s32 @!p1 s8, s12;
	s18 =	sadd.s32 @!p1 s8, s17  }
0xf6: {  	[tilespmem:s20], [sflag:$0x1] =	stream.linear.gather @!p1 [hbm4b:s18+s19], $0x320, $0x38;
	[tilespmem:$0x1BF80] =	vst v63  }
0xf7: {  	s12 =	sadd.s32 @!p1 $0xC35C8, s12;
	s18 =	simm.s32 @!p1 $0x18A80  }
0xf8: {  	[tilespmem:s18], [sflag:$0x1] =	stream.linear.gather @!p1 [hbm4b:s12+s19], $0x320, $0x38;
	[tilespmem:$0x1BF80] =	vst v63  }
0xf9: {  	s12 =	sadd.s32 @!p1 s1, s17;
	s18 =	simm.s32 @!p1 $0x18E00  }
0xfa: {  	[tilespmem:s18], [sflag:$0x1] =	stream.linear.gather @!p1 [hbm4b:s12+s19], $0x320, $0x38;
	[tilespmem:$0x1BF80] =	vst v63  }
0xfb: {  	s12 =	sadd.s32 @!p1 s3, s17;
	s18 =	simm.s32 @!p1 $0x19180  }
0xfc: {  	[tilespmem:s18], [sflag:$0x1] =	stream.linear.gather @!p1 [hbm4b:s12+s19], $0x320, $0x38;
	[tilespmem:$0x1BF80] =	vst v63  }
0xfd: {  	s12 =	sadd.s32 @!p1 s10, s17;
	s18 =	simm.s32 @!p1 $0x19500  }
0xfe: {  	[tilespmem:s18], [sflag:$0x1] =	stream.linear.gather @!p1 [hbm4b:s12+s19], $0x320, $0x38;
	[tilespmem:$0x1BF80] =	vst v63  }
0xff: {  	s12 =	sadd.s32 @!p1 s11, s17;
	s17 =	simm.s32 @!p1 $0x19880  }
0x100: {  	[tilespmem:s17], [sflag:$0x1] =	stream.linear.gather @!p1 [hbm4b:s12+s19], $0x320, $0x38;
	[tilespmem:$0x1BF80] =	vst v63  }
0x101: {  	_ =	swait.ge [sflag:s23], $0x320  }
0x102: {  	[sflag:s23] =	ssyncset.done $0x0  }
0x103: {  	[sflag:s23] =	ssyncadd.s32 $0xFFFFFCE0  }
0x104: {  	_ =	swait.ge [sflag:s23], $0x320  }
0x105: {  	[sflag:s23] =	ssyncset.done $0x0  }
0x106: {  	[sflag:s23] =	ssyncadd.s32 $0xFFFFFCE0  }
0x107: {  	_ =	swait.ge [sflag:s23], $0x320  }
0x108: {  	[sflag:s23] =	ssyncset.done $0x0  }
0x109: {  	[sflag:s23] =	ssyncadd.s32 $0xFFFFFCE0  }
0x10a: {  	_ =	swait.ge [sflag:s23], $0x320  }
0x10b: {  	[sflag:s23] =	ssyncset.done $0x0  }
0x10c: {  	[sflag:s23] =	ssyncadd.s32 $0xFFFFFCE0  }
0x10d: {  	_ =	swait.ge [sflag:s23], $0x320  }
0x10e: {  	[sflag:s23] =	ssyncset.done $0x0  }
0x10f: {  	[sflag:s23] =	ssyncadd.s32 $0xFFFFFCE0  }
0x110: {  	_ =	swait.ge [sflag:s23], $0x320  }
0x111: {  	[sflag:s23] =	ssyncset.done $0x0  }
0x112: {  	s12 =	simm.s32 @!p0 $0x4;
	[sflag:s23] =	ssyncadd.s32 $0xFFFFFCE0  }
0x113: {  	_ =	swait.ge @!p0 [sflag:s12], $0x320  }
0x114: {  	[sflag:s12] =	ssyncset.done @!p0 $0x0  }
0x115: {  	[sflag:s12] =	ssyncadd.s32 @!p0 $0xFFFFFCE0  }
0x116: {  	_ =	swait.ge @!p0 [sflag:s12], $0x320  }
0x117: {  	[sflag:s12] =	ssyncset.done @!p0 $0x0  }
0x118: {  	vm7 =	vgt.f32 v14, $9.999999770e-03;
	vm0 =	vmmov vm0;
	s17 =	simm.s32 $0x0;
	[sflag:s12] =	ssyncadd.s32 @!p0 $0xFFFFFCE0  }
0x119: {  	vm1 =	vmmov vm1;
	v2 =	vand.u32 $0x80000000, v2;
	vm3 =	vmand vm7, vm3;
	v6 =	vld [tilespmem:s17+$0x1AA00]  }
0x11a: {  	v3 =	vand.u32 $0x80000000, v3;
	vm2 =	vmand vm2, vm3;
	v2 =	vor.u32 v9, v2  }
0x11b: {  	vm1 =	vmand vm1, vm4;
	vm0 =	vmand vm0, vm2;
	v2 =	vmul.f32 v2, v10;
	v8 =	vld [tilespmem:s17+$0x1AD80]  }
0x11c: {  	vm0 =	vmor vm0, vm1;
	v3 =	vor.u32 v23, v3  }
0x11d: {  	v9 =	vand.u32 $0x7FFFFFFF, v5;
	v2 =	vsub.f32 v5, v2;
	v7 =	vmul.f32 v3, v19  }
0x11e: {  	v1 =	vsel vm0, $0x3F800000, v1;
	v10 =	vadd.f32 $9.999999770e-03, v9;
	v3 =	vadd.f32 $9.999999970e-07, v6  }
0x11f: {  	v2 =	vand.u32 $0x7FFFFFFF, v2;
	v6 =	vand.u32 $0x7FFFFFFF, v4;
	v4 =	vsub.f32 v4, v7  }
0x120: {  	v5 =	vand.u32 $0x7FFFFF, v8;
	v11 =	vadd.f32 $9.999999770e-03, v6;
	v7 =	vand.u32 $0x7FFFFFFF, v3  }
0x121: {  	vm1 =	vgt.f32 v6, $1.000000050e-03;
	v5 =	vor.u32 $0x3F800000, v5;
	v12 =	vand.u32 $0x7FFFFF, v7  }
0x122: {  	v4 =	vand.u32 $0x7FFFFFFF, v4;
	v11 =	vmul.f32 $9.999999770e-03, v11;
	v12 =	vor.u32 $0x3F800000, v12  }
0x123: {  	vm0 =	vgt.f32 v4, $9.999999770e-03;
	v6 =	vmul.f32 $5.000000000e-01, v12;
	vm2 =	vge.f32 v12, $1.414213540e+00  }
0x124: {  	vm3 =	vgt.f32 v4, v11;
	v4 =	vmul.f32 $9.999999770e-03, v10;
	v10 =	vld [tilespmem:s17+$0x1AA10];
	v11 =	vmul.f32 $5.000000000e-01, v5  }
0x125: {  	vm3 =	vmand vm0, vm3;
	vm0 =	vge.f32 v5, $1.414213540e+00;
	v6 =	vsel vm2, v6, v12  }
0x126: {  	vm4 =	vgt.f32 v2, v4;
	v4 =	vsel vm0, v11, v5;
	v6 =	vadd.f32 $-1.000000000e+00, v6  }
0x127: {  	v4 =	vadd.f32 $-1.000000000e+00, v4  }
0x128: {  	vm5 =	vmmov vm5;
	v12 =	vmul.f32 $2.527157070e-01, v6  }
0x129: {  	vm8 =	vgt.f32 v2, $9.999999770e-03;
	v2 =	vadd.f32 $9.999999970e-07, v10;
	v10 =	vmul.f32 $2.527157070e-01, v4  }
0x12a: {  	vm7 =	vgt.f32 v9, $1.000000050e-03;
	v9 =	vld [tilespmem:s17+$0x1AD90];
	v7 =	vshrl.u32 v7, $0x17;
	v5 =	vadd.f32 $-3.867956700e-01, v12  }
0x12b: {  	v14 =	vshrl.u32 v8, $0x17;
	v7 =	vadd.s32 $0xFFFFFF81, v7;
	v10 =	vadd.f32 $-3.867956700e-01, v10  }
0x12c: {  	v7 =	vcvt.s32.f32 v7;
	v16 =	vsel vm2, $0x3F800000, v0;
	v5 =	vmul.f32 v5, v6  }
0x12d: {  	vm3 =	vmand vm1, vm3;
	vm1 =	vmmov vm6;
	v10 =	vmul.f32 v10, v4  }
0x12e: {  	v7 =	vadd.f32 v7, v16;
	vm6 =	vmand vm8, vm4;
	v5 =	vadd.f32 $4.847836200e-01, v5  }
0x12f: {  	vm4 =	vmand vm5, vm3;
	v12 =	vand.u32 $0x7FFFFF, v9;
	v10 =	vadd.f32 $4.847836200e-01, v10  }
0x130: {  	vm5 =	vmand vm7, vm6;
	v12 =	vor.u32 $0x3F800000, v12;
	v5 =	vmul.f32 v5, v6  }
0x131: {  	v11 =	vand.u32 $0x7FFFFFFF, v2;
	v15 =	vmul.f32 $5.000000000e-01, v12;
	v10 =	vmul.f32 v10, v4  }
0x132: {  	v13 =	vand.u32 $0x7FFFFF, v11;
	vm3 =	vge.f32 v12, $1.414213540e+00;
	v5 =	vadd.f32 $-7.207758430e-01, v5  }
0x133: {  	v13 =	vor.u32 $0x3F800000, v13;
	v12 =	vsel vm3, v15, v12;
	v10 =	vadd.f32 $-7.207758430e-01, v10  }
0x134: {  	v15 =	vmul.f32 $5.000000000e-01, v13;
	v12 =	vadd.f32 $-1.000000000e+00, v12;
	v5 =	vmul.f32 v5, v6  }
0x135: {  	v11 =	vshrl.u32 v11, $0x17;
	vm2 =	vge.f32 v13, $1.414213540e+00;
	v10 =	vmul.f32 v10, v4  }
0x136: {  	v13 =	vsel vm2, v15, v13;
	v15 =	vmul.f32 $2.527157070e-01, v12;
	v5 =	vadd.f32 $1.442659260e+00, v5  }
0x137: {  	v16 =	vld [tilespmem:s17+$0x1B100];
	v17 =	vsel vm3, $0x3F800000, v0;
	v13 =	vadd.f32 $-1.000000000e+00, v13;
	v10 =	vadd.f32 $1.442659260e+00, v10  }
0x138: {  	v5 =	vmul.f32 v5, v6;
	v6 =	vand.u32 $0xFF, v14;
	v14 =	vadd.f32 $-3.867956700e-01, v15  }
0x139: {  	v15 =	vmul.f32 $2.527157070e-01, v13;
	v4 =	vmul.f32 v10, v4;
	v6 =	vadd.s32 $0xFFFFFF81, v6  }
0x13a: {  	v5 =	vadd.f32 v5, v7;
	v7 =	vmul.f32 v14, v12;
	v6 =	vcvt.s32.f32 v6  }
0x13b: {  	v14 =	vsel vm0, $0x3F800000, v0;
	v15 =	vadd.f32 $-3.867956700e-01, v15;
	vm0 =	vmand vm1, vm5  }
0x13c: {  	s18 =	simm.s32 $0x20;
	vm1 =	veq.f32 v16, $0.0e+00;
	v5 =	vmul.f32 $1.283708570e+00, v5;
	v6 =	vadd.f32 v6, v14  }
0x13d: {  	v16 =	vand.u32 $0x80000000, v3;
	v3 =	vld [tilespmem:s18+$0x1AD80];
	v7 =	vadd.f32 $4.847836200e-01, v7;
	v10 =	vmul.f32 v15, v13  }
0x13e: {  	vm0 =	vmor vm0, vm4;
	v5 =	vmul.f32 $1.442695020e+00, v5;
	v4 =	vadd.f32 v4, v6  }
0x13f: {  	v27 =	vsel vm1, $0x3F800000, v0;
	v7 =	vmul.f32 v7, v12;
	v10 =	vadd.f32 $4.847836200e-01, v10  }
0x140: {  	v6 =	vshrl.u32 v9, $0x17;
	(erf) = vpow2.f32 v5;
	v4 =	vmul.f32 $1.283708570e+00, v4  }
0x141: {  	v5 =	vand.u32 $0xFF, v6;
	v6 =	vadd.f32 $-7.207758430e-01, v7;
	v10 =	vmul.f32 v10, v13  }
0x142: {  	v1 =	vsel vm0, $0x3F800000, v1;
	v22 =	vand.u32 $0x7FFFFF, v3;
	v7 =	vld [tilespmem:s17+$0x1B110];
	v4 =	vmul.f32 $1.442695020e+00, v4  }
0x143: {  	v14 =	vld [tilespmem:s17+$0x1B490];
	v22 =	vor.u32 $0x3F800000, v22;
	v6 =	vmul.f32 v6, v12;
	v10 =	vadd.f32 $-7.207758430e-01, v10  }
0x144: {  	v5 =	vadd.s32 $0xFFFFFF81, v5;
	(erf) = vpow2.f32 v4;
	v4 =	vadd.s32 $0xFFFFFF81, v11;
	v11 =	vld [tilespmem:s18+$0x1AA10]  }
0x145: {  	v18 =	vld [tilespmem:s17+$0x1B480];
	v28 =	vmul.f32 $5.000000000e-01, v22;
	v19 =	vadd.f32 $1.442659260e+00, v6;
	v10 =	vmul.f32 v10, v13  }
0x146: {  	v15 =	vsel vm2, $0x3F800000, v0;
	v5 =	vcvt.s32.f32 v5;
	v20 =	vcvt.s32.f32 v4;
	v4 =	vld [tilespmem:s18+$0x1AD90]  }
0x147: {  	vm0 =	veq.f32 v7, $0.0e+00;
	v10 =	vadd.f32 $1.442659260e+00, v10;
	v12 =	vmul.f32 v19, v12;
	v19 =	vld [tilespmem:s18+$0x1AA00]  }
0x148: {  	v7 =	vand.u32 $0x7FFFFFFF, v14;
	v14 =	vadd.f32 v20, v15;
	v15 =	vadd.f32 v5, v17  }
0x149: {  	v6 =	vsel vm0, $0x3F800000, v0;
	v10 =	vmul.f32 v10, v13;
	v17 =	vpop (erf);
	v5 =	vadd.f32 $9.999999970e-07, v11  }
0x14a: {  	v11 =	vand.u32 $0x7FFFFFFF, v18;
	v12 =	vadd.f32 v12, v15;
	v16 =	vor.u32 v17, v16  }
0x14b: {  	v17 =	vand.u32 $0x80000000, v9;
	v9 =	vand.u32 $0x80000000, v8;
	v8 =	vshrl.u32 v4, $0x17  }
0x14c: {  	v30 =	vadd.f32 v10, v14;
	v21 =	vand.u32 $0xFF, v8;
	v8 =	vadd.f32 $9.999999970e-07, v19  }
0x14d: {  	v23 =	vld [tilespmem:s17+$0x1A680];
	v13 =	vmul.f32 v16, v11;
	v15 =	vand.u32 $0x7FFFFFFF, v5;
	v19 =	vshrl.u32 v3, $0x17;
	v20 =	vpop (erf)  }
0x14e: {  	v50 =	vld [tilespmem:s17+$0x1A300];
	v20 =	vor.u32 v20, v9;
	v9 =	vand.u32 $0xFF, v19;
	v19 =	vand.u32 $0x7FFFFFFF, v8  }
0x14f: {  	v16 =	vand.u32 $0x7FFFFF, v4;
	v12 =	vmul.f32 $1.283708570e+00, v12;
	v52 =	vand.u32 $0x7FFFFF, v19  }
0x150: {  	v51 =	vadd.s32 $0xFFFFFF81, v9;
	v9 =	vadd.s32 $0xFFFFFF81, v21;
	v21 =	vor.u32 $0x3F800000, v52  }
0x151: {  	v18 =	vand.u32 $0x7FFFFF, v15;
	v16 =	vor.u32 $0x3F800000, v16;
	v26 =	vmul.f32 $5.000000000e-01, v21  }
0x152: {  	v12 =	vmul.f32 $1.442695020e+00, v12;
	v18 =	vor.u32 $0x3F800000, v18;
	vm2 =	vge.f32 v21, $1.414213540e+00  }
0x153: {  	v13 =	vmul.f32 v13, v27;
	v10 =	vmul.f32 $5.000000000e-01, v18;
	v21 =	vsel vm2, v26, v21  }
0x154: {  	v53 =	vsel vm2, $0x3F800000, v0;
	vm2 =	vge.f32 v22, $1.414213540e+00;
	v21 =	vadd.f32 $-1.000000000e+00, v21  }
0x155: {  	v23 =	vld.idx.msk [tilespmem:v23+s7+$0x0], $0xffff;
	v19 =	vshrl.u32 v19, $0x17;
	(erf) = vpow2.f32 v12;
	v22 =	vsel vm2, v28, v22  }
0x156: {  	v24 =	vld.idx.msk [tilespmem:v50+s7+$0x0], $0xffff;
	v19 =	vadd.s32 $0xFFFFFF81, v19;
	v22 =	vadd.f32 $-1.000000000e+00, v22;
	v54 =	vmul.f32 $2.527157070e-01, v21  }
0x157: {  	v19 =	vcvt.s32.f32 v19;
	v55 =	vsel vm2, $0x3F800000, v0;
	vm2 =	vge.f32 v18, $1.414213540e+00  }
0x158: {  	[tilespmem:s17+$0x1B800] =	vst v13;
	v10 =	vsel vm2, v10, v18;
	v14 =	vmul.f32 $2.527157070e-01, v22;
	v13 =	vadd.f32 $-3.867956700e-01, v54  }
0x159: {  	v56 =	vld [tilespmem:s17+$0x1A310];
	v29 =	vmul.f32 $5.000000000e-01, v16;
	v20 =	vmul.f32 v20, v11;
	v10 =	vadd.f32 $-1.000000000e+00, v10  }
0x15a: {  	v19 =	vadd.f32 v19, v53;
	v18 =	vld [tilespmem:s17+$0x1A690];
	v12 =	vmul.f32 v13, v21;
	v13 =	vadd.f32 $-3.867956700e-01, v14  }
0x15b: {  	v11 =	vsel vm2, $0x3F800000, v0;
	v31 =	vmul.f32 $2.527157070e-01, v10;
	v14 =	vsub.f32 v23, v24  }
0x15c: {  	vm2 =	vge.f32 v16, $1.414213540e+00;
	v23 =	vadd.f32 $4.847836200e-01, v12;
	v13 =	vmul.f32 v13, v22  }
0x15d: {  	v62 =	vadd.f32 $-3.867956700e-01, v31;
	v12 =	vsel vm2, v29, v16;
	v16 =	vand.u32 $0x7FFFFFFF, v14  }
0x15e: {  	v24 =	vmul.f32 v27, v14;
	v23 =	vmul.f32 v23, v21;
	v57 =	vadd.f32 $4.847836200e-01, v13  }
0x15f: {  	v20 =	vsub.f32 v14, v20;
	v14 =	vshrl.u32 v15, $0x17;
	v12 =	vadd.f32 $-1.000000000e+00, v12  }
0x160: {  	v61 =	vpop (erf);
	v58 =	vadd.f32 $9.999999770e-03, v16;
	[tilespmem:s17+$0x1BB80] =	vst v24;
	v23 =	vadd.f32 $-7.207758430e-01, v23;
	v59 =	vmul.f32 v57, v22  }
0x161: {  	vm4 =	vgt.f32 v16, $1.000000050e-03;
	v16 =	vor.u32 v61, v17;
	v32 =	vmul.f32 $2.527157070e-01, v12;
	v26 =	vld.idx.msk [tilespmem:v56+s7+$0x0], $0xffff  }
0x162: {  	v13 =	vsel vm2, $0x3F800000, v0;
	v18 =	vld.idx.msk [tilespmem:v18+s7+$0x0], $0xffff;
	v23 =	vmul.f32 v23, v21;
	v24 =	vadd.f32 $-7.207758430e-01, v59  }
0x163: {  	v20 =	vand.u32 $0x7FFFFFFF, v20;
	v60 =	vmul.f32 $9.999999770e-03, v58;
	v15 =	vadd.f32 $-3.867956700e-01, v32  }
0x164: {  	v16 =	vmul.f32 v16, v7;
	v17 =	vadd.f32 $1.442659260e+00, v23;
	v23 =	vmul.f32 v24, v22  }
0x165: {  	vm2 =	vgt.f32 v20, $9.999999770e-03;
	vm3 =	vgt.f32 v20, v60;
	v15 =	vmul.f32 v15, v12  }
0x166: {  	v20 =	vcvt.s32.f32 v51;
	v17 =	vmul.f32 v17, v21;
	v21 =	vadd.f32 $1.442659260e+00, v23  }
0x167: {  	vm5 =	vmand vm2, vm3;
	v18 =	vsub.f32 v18, v26;
	v15 =	vadd.f32 $4.847836200e-01, v15  }
0x168: {  	v17 =	vadd.f32 v17, v19;
	v19 =	vadd.f32 v20, v55;
	v20 =	vmul.f32 v21, v22  }
0x169: {  	v16 =	vsub.f32 v18, v16;
	v23 =	vmul.f32 $1.283708570e+00, v30;
	v15 =	vmul.f32 v15, v12  }
0x16a: {  	v21 =	vand.u32 $0x7FFFFFFF, v18;
	v18 =	vmul.f32 v6, v18;
	v19 =	vadd.f32 v20, v19  }
0x16b: {  	v22 =	vmul.f32 v62, v10;
	v15 =	vadd.f32 $-7.207758430e-01, v15;
	v17 =	vmul.f32 $1.283708570e+00, v17  }
0x16c: {  	v23 =	vmul.f32 $1.442695020e+00, v23;
	v20 =	vadd.f32 $9.999999770e-03, v21;
	v19 =	vmul.f32 $1.283708570e+00, v19  }
0x16d: {  	v22 =	vadd.f32 $4.847836200e-01, v22;
	v63 =	vmul.f32 v15, v12;
	v17 =	vmul.f32 $1.442695020e+00, v17  }
0x16e: {  	vm5 =	vmand vm4, vm5;
	[tilespmem:s17+$0x1BB90] =	vst v18;
	v20 =	vmul.f32 $9.999999770e-03, v20;
	v19 =	vmul.f32 $1.442695020e+00, v19  }
0x16f: {  	vm2 =	vgt.f32 v21, $1.000000050e-03;
	v15 =	vld [tilespmem:s18+$0x1B110];
	v22 =	vmul.f32 v22, v10;
	(erf) = vpow2.f32 v17  }
0x170: {  	v18 =	vadd.f32 $1.442659260e+00, v63;
	v17 =	vand.u32 $0x7FFFFFFF, v16;
	v16 =	vld [tilespmem:s18+$0x1B490];
	(erf) = vpow2.f32 v19  }
0x171: {  	s12 =	simm.s32 $0x100;
	vm3 =	vgt.f32 v17, v20;
	v20 =	vadd.f32 $-7.207758430e-01, v22;
	v19 =	vld [tilespmem:s18+$0x1B100];
	(erf) = vpow2.f32 v23  }
.LBB2_5:
0x172: {  	v14 =	vadd.s32 $0xFFFFFF81, v14;
	v22 =	vand.u32 $0x80000000, v2  }
0x173: {  	s19 =	sshra.s32 s12, $0x2;
	p0 =	sne.s32 s12, $0xC00;
	s12 =	sadd.s32 $0x80, s12;
	v21 =	vld [tilespmem:s18+$0x1B480];
	vm6 =	vgt.f32 v17, $9.999999770e-03;
	v2 =	vmovc v5;
	vm4 =	vmmov vm0;
	vm7 =	vmmov vm1  }
0x174: {  	v5 =	vld [tilespmem:s19+$0x1AA10];
	v14 =	vcvt.s32.f32 v14;
	v17 =	vmul.f32 v20, v10;
	vm0 =	veq.f32 v15, $0.0e+00  }
0x175: {  	v9 =	vcvt.s32.f32 v9;
	v16 =	vand.u32 $0x7FFFFFFF, v16;
	v20 =	vsel vm0, $0x3F800000, v0  }
0x176: {  	v23 =	vld [tilespmem:s19+$0x1AD90];
	vm1 =	veq.f32 v19, $0.0e+00;
	v11 =	vadd.f32 v14, v11;
	v14 =	vadd.f32 $1.442659260e+00, v17  }
0x177: {  	v15 =	vand.u32 $0x80000000, v4;
	vm5 =	vmand vm7, vm5;
	v9 =	vadd.f32 v9, v13  }
0x178: {  	v18 =	vmul.f32 v18, v12;
	v4 =	vand.u32 $0x80000000, v8;
	v13 =	vld [tilespmem:s19+$0x1AD80];
	v10 =	vmul.f32 v14, v10;
	v12 =	vpop (erf)  }
0x179: {  	v17 =	vand.u32 $0x7FFFFFFF, v21;
	v14 =	vld [tilespmem:s19+$0x1AA00];
	v5 =	vadd.f32 $9.999999970e-07, v5;
	v4 =	vor.u32 v12, v4  }
0x17a: {  	v3 =	vand.u32 $0x80000000, v3;
	v9 =	vadd.f32 v18, v9;
	v12 =	vmul.f32 v4, v17;
	v8 =	vpop (erf)  }
0x17b: {  	v18 =	vand.u32 $0x7FFFFFFF, v5;
	v26 =	vshrl.u32 v23, $0x17;
	v19 =	vand.u32 $0x7FFFFF, v23;
	v21 =	vpop (erf)  }
0x17c: {  	v24 =	vand.u32 $0x7FFFFF, v18;
	v25 =	vand.u32 $0xFF, v26;
	v19 =	vor.u32 $0x3F800000, v19;
	v4 =	vmovc v23  }
0x17d: {  	v27 =	vor.u32 v8, v3;
	v23 =	vshrl.u32 v13, $0x17;
	v26 =	vand.u32 $0x7FFFFF, v13;
	v3 =	vmovc v13  }
0x17e: {  	v8 =	vadd.f32 $9.999999970e-07, v14;
	v13 =	vand.u32 $0xFF, v23;
	v14 =	vmul.f32 $1.283708570e+00, v9  }
0x17f: {  	v28 =	vsel vm1, $0x3F800000, v0;
	v23 =	vadd.s32 $0xFFFFFF81, v13;
	v13 =	vor.u32 $0x3F800000, v26;
	v26 =	vld [tilespmem:s18+$0x1A680]  }
0x180: {  	v9 =	vadd.s32 $0xFFFFFF81, v25;
	v29 =	vand.u32 $0x7FFFFFFF, v8;
	v25 =	vld [tilespmem:s18+$0x1A300];
	v14 =	vmul.f32 $1.442695020e+00, v14  }
0x181: {  	v21 =	vor.u32 v21, v22;
	v30 =	vshrl.u32 v29, $0x17;
	v29 =	vand.u32 $0x7FFFFF, v29  }
0x182: {  	v21 =	vmul.f32 v21, v7;
	v7 =	vmovc v16;
	v22 =	vor.u32 $0x3F800000, v29;
	v29 =	vmul.f32 $5.000000000e-01, v13  }
0x183: {  	v31 =	vmul.f32 $5.000000000e-01, v19;
	v16 =	vadd.s32 $0xFFFFFF81, v30;
	v30 =	vmul.f32 $5.000000000e-01, v22  }
0x184: {  	v21 =	vmul.f32 v21, v6;
	v6 =	vmovc v20;
	vm7 =	vge.f32 v22, $1.414213540e+00;
	v16 =	vcvt.s32.f32 v16  }
0x185: {  	v12 =	vmul.f32 v12, v28;
	v20 =	vsel vm7, v30, v22;
	v22 =	vsel vm7, $0x3F800000, v0  }
0x186: {  	vm3 =	vmand vm6, vm3;
	vm7 =	vge.f32 v13, $1.414213540e+00;
	v16 =	vadd.f32 v16, v22;
	[tilespmem:s17+$0x1B810] =	vst v21;
	s17 =	smov.u32 s18;
	s18 =	smov.u32 s19  }
0x187: {  	v20 =	vadd.f32 $-1.000000000e+00, v20;
	v13 =	vsel vm7, v29, v13;
	v21 =	vsel vm7, $0x3F800000, v0;
	v22 =	vld.idx.msk [tilespmem:v26+s7+$0x0], $0xffff  }
0x188: {  	vm2 =	vmand vm2, vm3;
	v24 =	vor.u32 $0x3F800000, v24;
	v26 =	vadd.f32 v10, v11;
	v25 =	vld.idx.msk [tilespmem:v25+s7+$0x0], $0xffff  }
0x189: {  	v29 =	vadd.f32 $-1.000000000e+00, v13;
	v11 =	vmul.f32 $5.000000000e-01, v24;
	v10 =	vmul.f32 $2.527157070e-01, v20;
	[tilespmem:s17+$0x1B800] =	vst v12  }
0x18a: {  	vm2 =	vmand vm4, vm2;
	v17 =	vmul.f32 v27, v17;
	vm3 =	vge.f32 v24, $1.414213540e+00  }
0x18b: {  	vm2 =	vmor vm2, vm5;
	v12 =	vmul.f32 $2.527157070e-01, v29;
	v10 =	vadd.f32 $-3.867956700e-01, v10;
	v27 =	vld [tilespmem:s17+$0x1A310]  }
0x18c: {  	v1 =	vsel vm2, $0x3F800000, v1;
	v11 =	vsel vm3, v11, v24;
	v24 =	vld [tilespmem:s17+$0x1A690];
	(erf) = vpow2.f32 v14  }
0x18d: {  	v12 =	vadd.f32 $-3.867956700e-01, v12;
	v13 =	vmul.f32 v10, v20;
	v10 =	vadd.f32 $-1.000000000e+00, v11  }
0x18e: {  	vm2 =	vge.f32 v19, $1.414213540e+00;
	v11 =	vsel vm3, $0x3F800000, v0;
	v14 =	vsub.f32 v22, v25  }
0x18f: {  	v22 =	vmul.f32 v12, v29;
	v12 =	vsel vm2, v31, v19;
	v13 =	vadd.f32 $4.847836200e-01, v13  }
0x190: {  	v12 =	vadd.f32 $-1.000000000e+00, v12;
	v19 =	vand.u32 $0x7FFFFFFF, v14;
	v25 =	vmul.f32 v28, v14  }
0x191: {  	v22 =	vadd.f32 $4.847836200e-01, v22;
	v28 =	vmul.f32 v13, v20;
	v30 =	vadd.f32 $9.999999770e-03, v19  }
0x192: {  	v31 =	vmul.f32 $2.527157070e-01, v10;
	v13 =	vsel vm2, $0x3F800000, v0;
	v32 =	vmul.f32 $2.527157070e-01, v12;
	[tilespmem:s17+$0x1BB80] =	vst v25  }
0x193: {  	v17 =	vsub.f32 v14, v17;
	v22 =	vmul.f32 v22, v29;
	v25 =	vadd.f32 $-7.207758430e-01, v28;
	v27 =	vld.idx.msk [tilespmem:v27+s7+$0x0], $0xffff  }
0x194: {  	v14 =	vshrl.u32 v18, $0x17;
	v18 =	vadd.f32 $-3.867956700e-01, v32;
	v28 =	vmul.f32 $9.999999770e-03, v30;
	v24 =	vld.idx.msk [tilespmem:v24+s7+$0x0], $0xffff  }
0x195: {  	v17 =	vand.u32 $0x7FFFFFFF, v17;
	v22 =	vadd.f32 $-7.207758430e-01, v22;
	v25 =	vmul.f32 v25, v20;
	v30 =	vpop (erf)  }
0x196: {  	vm4 =	vgt.f32 v19, $1.000000050e-03;
	v18 =	vmul.f32 v18, v12;
	v15 =	vor.u32 v30, v15  }
0x197: {  	vm2 =	vgt.f32 v17, $9.999999770e-03;
	v22 =	vmul.f32 v22, v29;
	v19 =	vadd.f32 $1.442659260e+00, v25  }
0x198: {  	vm3 =	vgt.f32 v17, v28;
	v25 =	vadd.f32 $-3.867956700e-01, v31;
	v18 =	vadd.f32 $4.847836200e-01, v18  }
0x199: {  	v17 =	vmul.f32 v19, v20;
	v19 =	vcvt.s32.f32 v23;
	v20 =	vadd.f32 $1.442659260e+00, v22  }
0x19a: {  	v15 =	vmul.f32 v15, v7;
	v18 =	vmul.f32 v18, v12;
	v22 =	vsub.f32 v24, v27  }
0x19b: {  	v16 =	vadd.f32 v17, v16;
	v17 =	vadd.f32 v19, v21;
	v19 =	vmul.f32 v20, v29  }
0x19c: {  	v20 =	vsub.f32 v22, v15;
	v21 =	vand.u32 $0x7FFFFFFF, v22;
	v15 =	vmul.f32 v6, v22  }
0x19d: {  	v16 =	vmul.f32 $1.283708570e+00, v16;
	v17 =	vadd.f32 v19, v17;
	v19 =	vadd.f32 $9.999999770e-03, v21  }
0x19e: {  	v23 =	vmul.f32 $1.283708570e+00, v26;
	v18 =	vadd.f32 $-7.207758430e-01, v18;
	v22 =	vmul.f32 v25, v10;
	[tilespmem:s17+$0x1BB90] =	vst v15  }
0x19f: {  	vm5 =	vmand vm2, vm3;
	v16 =	vmul.f32 $1.442695020e+00, v16;
	v15 =	vmul.f32 $1.283708570e+00, v17  }
.Ltmp1:
0x1a0: {  	v18 =	vmul.f32 v18, v12;
	v22 =	vadd.f32 $4.847836200e-01, v22;
	v19 =	vmul.f32 $9.999999770e-03, v19;
	(pc) =	sbr.rel @p0 .LBB2_5-.Ltmp1, $4  }
0x1a1: {  	v17 =	vand.u32 $0x7FFFFFFF, v20;
	v24 =	vmul.f32 $1.442695020e+00, v15;
	v15 =	vld [tilespmem:s18+$0x1B110];
	(erf) = vpow2.f32 v16  }
0x1a2: {  	v20 =	vmul.f32 v22, v10;
	v22 =	vmul.f32 $1.442695020e+00, v23;
	vm3 =	vgt.f32 v17, v19;
	v16 =	vld [tilespmem:s18+$0x1B490]  }
0x1a3: {  	vm2 =	vgt.f32 v21, $1.000000050e-03;
	v18 =	vadd.f32 $1.442659260e+00, v18;
	v19 =	vld [tilespmem:s18+$0x1B100];
	(erf) = vpow2.f32 v24  }
0x1a4: {  	vm5 =	vmand vm4, vm5;
	v20 =	vadd.f32 $-7.207758430e-01, v20;
	(erf) = vpow2.f32 v22  }
0x1a5: {  	_ =	sdelay $0x5  }
0x1a6: {  	v21 =	vpop (erf)  }
0x1a7: {  	v25 =	vld [tilespmem:s18+$0x1A680];
	v23 =	vpop (erf)  }
0x1a8: {  	v2 =	vand.u32 $0x80000000, v2;
	v41 =	vld [tilespmem:s18+$0x1A300];
	v24 =	vpop (erf)  }
0x1a9: {  	v2 =	vor.u32 v24, v2  }
0x1aa: {  	v2 =	vmul.f32 v2, v7;
	_ =	sdelay $0x1  }
0x1ab: {  	v2 =	vmul.f32 v2, v6  }
0x1ac: {  	v9 =	vcvt.s32.f32 v9  }
0x1ad: {  	v22 =	vld [tilespmem:s18+$0x1B480];
	v43 =	vmul.f32 v20, v10;
	[tilespmem:s17+$0x1B810] =	vst v2  }
0x1ae: {  	v44 =	vadd.s32 $0xFFFFFF81, v14;
	v12 =	vmul.f32 v18, v12;
	v9 =	vadd.f32 v9, v13;
	v47 =	vld.idx.msk [tilespmem:v25+s7+$0x0], $0xffff  }
0x1af: {  	v42 =	vand.u32 $0x80000000, v8;
	v8 =	vcvt.s32.f32 v44;
	v6 =	vadd.f32 $1.442659260e+00, v43;
	v48 =	vld.idx.msk [tilespmem:v41+s7+$0x0], $0xffff  }
0x1b0: {  	v9 =	vadd.f32 v12, v9  }
0x1b1: {  	v2 =	vadd.f32 v8, v11;
	v6 =	vmul.f32 v6, v10;
	v50 =	vld [tilespmem:s18+$0x1A310]  }
0x1b2: {  	v45 =	vand.u32 $0x7FFFFFFF, v22;
	v49 =	vmul.f32 $1.283708570e+00, v9;
	v7 =	vor.u32 v21, v42;
	v51 =	vld [tilespmem:s18+$0x1A690]  }
0x1b3: {  	vm4 =	veq.f32 v19, $0.0e+00;
	v7 =	vmul.f32 v7, v45;
	v2 =	vadd.f32 v6, v2  }
0x1b4: {  	v46 =	vsel vm4, $0x3F800000, v0;
	v6 =	vmul.f32 $1.442695020e+00, v49;
	v8 =	vsub.f32 v47, v48  }
0x1b5: {  	v7 =	vmul.f32 v7, v46;
	v2 =	vmul.f32 $1.283708570e+00, v2  }
0x1b6: {  	(erf) = vpow2.f32 v6;
	v52 =	vmul.f32 v46, v8  }
0x1b7: {  	[tilespmem:s18+$0x1B800] =	vst v7;
	v2 =	vmul.f32 $1.442695020e+00, v2  }
0x1b8: {  	[tilespmem:s18+$0x1BB80] =	vst v52  }
0x1b9: {  	(erf) = vpow2.f32 v2;
	v2 =	vld.idx.msk [tilespmem:v50+s7+$0x0], $0xffff  }
0x1ba: {  	vm6 =	vgt.f32 v17, $9.999999770e-03;
	vm7 =	vmmov vm0;
	v6 =	vld.idx.msk [tilespmem:v51+s7+$0x0], $0xffff  }
0x1bb: {  	vm1 =	vmmov vm1;
	v4 =	vand.u32 $0x80000000, v4;
	v3 =	vand.u32 $0x80000000, v3  }
0x1bc: {  	v5 =	vand.u32 $0x80000000, v5;
	vm15 =	veq.f32 v15, $0.0e+00;
	vm1 =	vmand vm1, vm5  }
0x1bd: {  	vm3 =	vmand vm6, vm3;
	v53 =	vand.u32 $0x7FFFFFFF, v16;
	v54 =	vsel vm15, $0x3F800000, v0  }
0x1be: {  	vm2 =	vmand vm2, vm3;
	vm0 =	vmmov vm15;
	v3 =	vor.u32 v23, v3  }
0x1bf: {  	v3 =	vmul.f32 v3, v45;
	v10 =	vand.u32 $0x7FFFFFFF, v8;
	v55 =	vpop (erf);
	v2 =	vsub.f32 v6, v2  }
0x1c0: {  	vm2 =	vmand vm7, vm2;
	v56 =	vadd.f32 $9.999999770e-03, v10;
	v4 =	vor.u32 v55, v4  }
0x1c1: {  	v3 =	vsub.f32 v8, v3;
	v4 =	vmul.f32 v4, v53;
	v58 =	vand.u32 $0x7FFFFFFF, v2  }
0x1c2: {  	vm9 =	vgt.f32 v10, $1.000000050e-03;
	v59 =	vmul.f32 $9.999999770e-03, v56;
	v57 =	vpop (erf);
	v61 =	vadd.f32 $9.999999770e-03, v58  }
0x1c3: {  	v5 =	vor.u32 v57, v5;
	v60 =	vmul.f32 v54, v2;
	v2 =	vsub.f32 v2, v4  }
0x1c4: {  	v3 =	vand.u32 $0x7FFFFFFF, v3;
	v5 =	vmul.f32 v5, v53;
	v63 =	vmul.f32 $9.999999770e-03, v61  }
0x1c5: {  	s15 =	sadd.s32 $0x1, s15;
	vm10 =	vgt.f32 v3, $9.999999770e-03;
	vm11 =	vgt.f32 v3, v59;
	v2 =	vand.u32 $0x7FFFFFFF, v2  }
0x1c6: {  	p0 =	sne.s32 s15, $0x7D;
	v62 =	vmul.f32 v5, v54;
	vm13 =	vgt.f32 v2, $9.999999770e-03;
	vm12 =	vgt.f32 v2, v63  }
.Ltmp2:
0x1c7: {  	vm5 =	vmand vm10, vm11;
	vm14 =	vgt.f32 v58, $1.000000050e-03;
	[tilespmem:s18+$0x1BB90] =	vst v60;
	vm6 =	vmand vm13, vm12;
	(pc) =	sbr.rel @p0 .LBB2_2-.Ltmp2, $4  }
0x1c8: {  	s12 =	sadd.s32 s5, s16;
	vm4 =	vmmov vm4;
	vm3 =	vmand vm9, vm5;
	[tilespmem:s18+$0x1B810] =	vst v62;
	vm5 =	vmand vm14, vm6  }
0x1c9: {  	vm1 =	vmor vm2, vm1;
	vm15 =	vmand vm4, vm3;
	[hbm4b:s12+s7] =	stream.linear.scatter [tilespmem:s24], [sflag:$0x4], $0x320, $0x38;
	vm0 =	vmand vm0, vm5;
	[tilespmem:$0x1BF80] =	vst v63  }
0x1ca: {  	s26 =	sadd.s32 s6, s16;
	v1 =	vsel vm1, $0x3F800000, v1;
	vm0 =	vmor vm0, vm15  }
0x1cb: {  	[hbm4b:s26+s7] =	stream.linear.scatter [tilespmem:s25], [sflag:$0x4], $0x320, $0x38;
	v1 =	vsel vm0, $0x3F800000, v1;
	[tilespmem:$0x1BF80] =	vst v63  }
0x1cc: {  	s12 =	simm.s32 $0x3  }
0x1cd: {  	_ =	swait.ge [sflag:s12], $0x320  }
0x1ce: {  	[sflag:s12] =	ssyncset.done $0x0  }
0x1cf: {  	[sflag:s12] =	ssyncadd.s32 $0xFFFFFCE0  }
0x1d0: {  	_ =	swait.ge [sflag:s12], $0x320  }
0x1d1: {  	[sflag:s12] =	ssyncset.done $0x0  }
0x1d2: {  	[sflag:s12] =	ssyncadd.s32 $0xFFFFFCE0  }
0x1d3: {  	_ =	swait.ge [sflag:s13], $0x320  }
0x1d4: {  	[sflag:s13] =	ssyncset.done $0x0  }
0x1d5: {  	[sflag:s13] =	ssyncadd.s32 $0xFFFFFCE0  }
0x1d6: {  	_ =	swait.ge [sflag:s13], $0x320  }
0x1d7: {  	[sflag:s13] =	ssyncset.done $0x0  }
0x1d8: {  	[sflag:s13] =	ssyncadd.s32 $0xFFFFFCE0  }
0x1d9: {  	s15 =	simm.s32 $0x1BF00;
	s20 =	rddreg [dreg:$0xd];
	[tilespmem:$0x1BF00] =	vst v1  }
0x1da: {  	[hbm4b:s20+s7] =	stream.linear.scatter [tilespmem:s15], [sflag:$0x5], $0x80, $0x38;
	[tilespmem:$0x1BF80] =	vst v63  }
0x1db: {  	s15 =	simm.s32 $0x5  }
0x1dc: {  	_ =	swait.ge [sflag:s15], $0x80  }
0x1dd: {  	s14 =	sadd.s32 $0x1, s14;
	s26 =	rddreg [dreg:$0xe]  }
0x1de: {  	p0 =	sne.s32 s14, s26  }
.Ltmp3:
0x1df: {  	_ = 	snop;
	(pc) =	sbr.rel @p0 .LBB2_1-.Ltmp3, $3  }
0x1e0: {  	_ =	sdelay $0x1  }
0x1e1: {  	[sflag:s15] =	ssyncset.done $0x0  }
0x1e2: {  	[sflag:s15] =	ssyncadd.s32 $0xFFFFFF80  }
0x1e3: {  	_ =	sfence.sel $0x180000  }
0x1e4: {  	[bflag:$0x0] =	sbarrier.arrive $0xFFFF  }
0x1e5: {  	_ =	strace $0x9000004A  }
0x1e6: {  	s0 =	stileid.u32;
	[bflag:$0x2] =	sbarrier.arrive $0xFFFF  }
0x1e7: {  	p0 =	sne.s32 s0, $0x0;
	s0 =	rddreg [dreg:$0x6]  }
0x1e8: {  	s0 =	sadd.s32 @!p0 $0x100000, s0  }
0x1e9: {  	[sflag:s0] =	ssyncadd.tile.s32 @!p0 $0x1;
	_ =	shalt  }
.Lfunc_end2:
_tile_overlayer_lowered:
.L_overlay_start_2:
0x1ea: {  	(tag) =	ssettag $0x2  }
0x1eb: {  	s0 =	rddreg [dreg:$0x0];
	s2 =	stileid.u32  }
0x1ec: {  	s1 =	rddreg [dreg:$0x1];
	p0 =	sne.s32 s2, $0x0  }
0x1ed: {  	s3 =	rddreg [dreg:$0x2];
	[bflag:$0x3] =	sbarrier.arrive $0xFFFF;
	s2 =	simm.s32 @!p0 $0x1C05  }
0x1ee: {  	[timem:s3], [sflag:s2] =	dma.local @!p0 [hbm:s0], s1  }
0x1ef: {  	s0 =	simm.s32 @!p0 $0x5  }
0x1f0: {  	_ =	swait.ge @!p0 [sflag:s0], s1  }
0x1f1: {  	s1 =	ssub.s32 @!p0 $0x0, s1;
	[sflag:s0] =	ssyncset.done @!p0 $0x0  }
0x1f2: {  	[sflag:s0] =	ssyncadd.s32 @!p0 s1  }
0x1f3: {  	[bflag:$0x3] =	sbarrier.arrive $0xFFFF  }
0x1f4: {  	_ =	shalt  }

// kernel: sparse-core-data-format-call.cloned.1.call-start
scs
called_computation_lowered:
.L_overlay_start_0:
0x0: {  	s2 =	sld [smem:$0x3FD9]  }
0x1: {  	s3 =	sld [smem:$0x3FFE];
	_ =	sdelay $0x1  }
0x2: {  	s1 =	srdreg.scid  }
0x3: {  	s0 =	sand.u32 $0x1, s1  }
0x4: {  	s18 =	sshll.u32 s0, $0xA;
	s2 =	sadd.s32 s3, s2  }
0x5: {  	s2 =	sadd.s32 s2, s18  }
0x6: {  	[smem:$0x3FC3] =	sst s2  }
0x7: {  	_ = 	snop  }
0x8: {  	s2 =	sld [smem:$0x3FC8];
	(tm) =	ssettm $0x1  }
0x9: {  	s19 =	sld [smem:$0x3FFB];
	_ =	sdelay $0x3  }
0xa: {  	_ =	strace s19  }
0xb: {  	s3 =	sld [smem:$0x3FFC];
	_ =	sdelay $0x3  }
0xc: {  	_ =	strace s3  }
0xd: {  	s3 =	sld [smem:$0x3FFD];
	_ =	sdelay $0x3  }
0xe: {  	_ =	strace s3  }
0xf: {  	_ =	strace $0x8FFFFFFF  }
0x10: {  	s20 =	sld [smem:$0x3FDB];
	_ =	sdelay $0x1  }
0x11: {  	s4 =	simm.s32 $_scs_section_size  }
0x12: {  	s5 =	simm.s32 $_size__tile_overlayer_lowered;
	s6 =	simm.s32 $_tile_overlayer_lowered  }
0x13: {  	s23 =	simm.s32 $0x1BFF;
	s22 =	sshll.u32 s6, $0x1;
	s3 =	sadd.s32 s4, s20  }
0x14: {  	s7 =	simm.s32 $0x0;
	s21 =	sshll.u32 s5, $0x1;
	s5 =	sadd.s32 s22, s3  }
0x15: {  	[timem:s7], [sflag:s23] =	dma.local [hbm:s5], s21  }
0x16: {  	_ =	swait.ge [sflag:s23], s21  }
0x17: {  	s4 =	ssub.s32 $0x0, s21;
	[sflag:s23] =	ssyncset.done $0x0  }
0x18: {  	[sflag:s23] =	ssyncadd.s32 s4;
	_ =	sdelay $0x1  }
0x19: {  	s24 =	simm.s32 $0x1B8B  }
0x1a: {  	_ =	swait.ge [sflag:s24], $0x1  }
0x1b: {  	[sflag:s24] =	ssyncset.done $0x0  }
0x1c: {  	s26 =	simm.s32 $0x1B8E;
	s25 =	sld [smem:$0x3FFE];
	[sflag:s24] =	ssyncadd.s32 $0xFFFFFFFF  }
0x1d: {  	s27 =	simm.s32 $execute0_lowered;
	[smem:$0x3FD2] =	sst s26  }
0x1e: {  	s5 =	sshll.u32 s27, $0x1;
	_ =	strace $0x80000046;
	[dreg:$0x1] =	wrdreg $0xFFFFFFFF  }
0x1f: {  	s28 =	simm.s32 $_size_execute0_lowered;
	s3 =	sadd.s32 s3, s5;
	[dreg:$0x0] =	wrdreg $0x0  }
0x20: {  	s5 =	sshll.u32 s28, $0x1;
	[dreg:$0x2] =	wrdreg s3  }
0x21: {  	[dreg:$0x3] =	wrdreg s5  }
0x22: {  	[dreg:$0x4] =	wrdreg $0xC0  }
0x23: {  	_ =	task [dreg:s7], $0x5FFFF  }
0x24: {  	[dreg:$0x1] =	wrdreg $0xFFFFFFFF  }
0x25: {  	[dreg:$0x0] =	wrdreg $0x60  }
0x26: {  	[dreg:$0x2] =	wrdreg s2  }
0x27: {  	[dreg:$0x3] =	wrdreg s25  }
0x28: {  	[dreg:$0x4] =	wrdreg $0x9  }
0x29: {  	_ =	task.clear_ibuf [dreg:s7], $0x5FFFF;
	_ =	strace $0x90000046  }
0x2a: {  	s29 =	simm.s32 $0x9;
	_ =	strace $0x80000048  }
0x2b: {  	_ =	swait.ge [sflag:s29], $0x1  }
0x2c: {  	[sflag:s29] =	ssyncadd.s32 $0xFFFFFFFF  }
0x2d: {  	_ =	strace $0x90000048  }
0x2e: {  	_ =	sfence  }
0x2f: {  	s30 =	sld [smem:$0x0];
	_ =	sdelay $0x2  }
0x30: {  	s31 =	sshll.u32 s1, $0xD;
	s1 =	sshrl.u32 s1, $0x2  }
0x31: {  	s3 =	sand.u32 $0x4000, s31;
	s1 =	sadd.s32 s1, s30  }
0x32: {  	s0 =	sor.u32 s3, s0;
	s1 =	sshll.u32 s1, $0x11  }
0x33: {  	s0 =	sor.u32 s1, s0  }
0x34: {  	s0 =	sadd.s32 $0x8F2B, s0  }
0x35: {  	[sflag:s0] =	ssyncadd.remote.s32 $0x1  }
0x36: {  	_ =	sfence.sel $0xFFFF  }
0x37: {  	[dreg:$0x0] =	wrdreg $0xFFFFFFFF;
	(pc) =	sbr.abs _section_cstart, $3  }
0x38: {  	[dreg:$0x1] =	wrdreg $0xFFFFFFFF  }
0x39: {  	_ =	task.clear_ibuf [dreg:s7], $0x2FFFF;
	_ =	strace $0x9FFFFFFF  }
0x3a: {  	(tm) =	ssettm $0x7FFFFFFF  }
0x3b: {  	_ =	shalt  }
tec
execute0_lowered:
.L_overlay_start_1:
0x0: {  	(tag) =	ssettag $0x1  }
0x1: {  	s0 =	stileid.u32;
	s7 =	rddreg [dreg:$0x0]  }
0x2: {  	s1 =	srdreg.scid;
	s4 =	rddreg [dreg:$0x1]  }
0x3: {  	s30 =	simm.s32 $0x2;
	s10 =	simm.s32 $0x0;
	s14 =	simm.s32 $0x0  }
0x4: {  	s15 =	simm.s32 $0x0;
	s11 =	simm.s32 $0x0;
	s13 =	simm.s32 $0x0  }
0x5: {  	s2 =	sand.u32 $0x1, s1;
	s3 =	sshll.u32 s0, $0x7;
	s1 =	rddreg [dreg:$0x2]  }
0x6: {  	_ =	strace $0x80000047;
	s5 =	ssub.s32 $0xC300, s3;
	s6 =	ssub.s32 $0x2, s2  }
.Ltmp0:
0x7: {  	s5 =	sshrl.u32 s5, $0xB;
	s8 =	sshrl.u32 s6, $0x1;
	(pc) =	sbr.rel .LBB1_1-.Ltmp0, $4  }
0x8: {  	s4 =	sadd.s32 $0x1000, s4;
	s9 =	sadd.s32 $0x1, s5;
	s6 =	ssub.s32 s6, s8  }
0x9: {  	s31 =	sshll.u32 s2, $0x4;
	s5 =	simm.s32 $0x1;
	s6 =	smul.u32 s9, s6  }
0xa: {  	s12 =	smov.u32 s3;
	s7 =	sadd.s32 s7, s31;
	[sflag:s5] =	ssyncpa.u1 $0x0  }
0xb: {  	s9 =	simm.s32 $0x0;
	[sflag:s30] =	ssyncpa.u1 $0x0;
	s8 =	sadd.s32 $0x1, s6  }
.LBB1_4:
0xc: {  	s21 =	simm.s32 $0x0  }
.LBB1_8:
0xd: {  	_ =	sdelay $0x3  }
0xe: {  	v6 =	vld [tilespmem:s18+$0xFFFFFFC0];
	[tilespmem:v0+s20+$0x30 ss:$0x1] =	vst.idx.msk @p0 $0xffff, v2  }
0xf: {  	v58 =	vld [tilespmem:s18+$0xFFFFFFD0];
	[tilespmem:v0+s20+$0x40 ss:$0x1] =	vst.idx.msk @p0 $0xffff, v3;
	s21 =	sadd.s32 @p0 $0x80, s21  }
0x10: {  	v59 =	vld [tilespmem:s18+$0xFFFFFFE0];
	[tilespmem:v0+s20+$0x50 ss:$0x1] =	vst.idx.msk @p0 $0xffff, v5;
	s19 =	smov.u32 @p0 s21  }
0x11: {  	v60 =	vld [tilespmem:s18+$0xFFFFFFF0];
	[tilespmem:v0+s20+$0x60 ss:$0x1] =	vst.idx.msk @p0 $0xffff, v4;
	s19 =	sand.u32 $0x3F80, s19  }
0x12: {  	v61 =	vld [tilespmem:s18+$0x0];
	[tilespmem:v0+s19+$0x70 ss:$0x1] =	vst.idx.msk $0xffff, v1  }
0x13: {  	v62 =	vld [tilespmem:s18+$0x10];
	[tilespmem:v0+s19+$0x0 ss:$0x1] =	vst.idx.msk $0xffff, v6  }
0x14: {  	v63 =	vld [tilespmem:s18+$0x20];
	[tilespmem:v0+s19+$0x10 ss:$0x1] =	vst.idx.msk $0xffff, v58  }
0x15: {  	[tilespmem:v0+s19+$0x20 ss:$0x1] =	vst.idx.msk $0xffff, v59  }
0x16: {  	[tilespmem:v0+s19+$0x30 ss:$0x1] =	vst.idx.msk $0xffff, v60  }
0x17: {  	[tilespmem:v0+s19+$0x40 ss:$0x1] =	vst.idx.msk $0xffff, v61  }
0x18: {  	[tilespmem:v0+s19+$0x50 ss:$0x1] =	vst.idx.msk $0xffff, v62  }
0x19: {  	[tilespmem:v0+s19+$0x60 ss:$0x1] =	vst.idx.msk $0xffff, v63  }
.LBB1_9:
0x1a: {  	s18 =	sand.u32 $0x1FFFFFF, s11  }
0x1b: {  	s19 =	smulhi.u32 $0x14F8B59, s18;
	_ =	sdelay $0x1  }
0x1c: {  	s19 =	sshrl.u32 s19, $0x8  }
0x1d: {  	s19 =	smul.u32 $0xC350, s19  }
0x1e: {  	s15 =	smul.u32 $0xC3500, s15  }
0x1f: {  	s18 =	ssub.s32 s18, s19  }
0x20: {  	s15 =	sadd.s32 s4, s15;
	s18 =	sshll.u32 s18, $0x4  }
0x21: {  	s15 =	sadd.s32 s18, s15  }
0x22: {  	[hbm4b:s15+s9] =	stream.linear.scatter [tilespmem:s17], [sflag:$0x2], s16, $0x38;
	[tilespmem:$0x10000] =	vst v63  }
.LBB1_10:
0x23: {  	p0 =	slt.u32 s13, $0x2  }
0x24: {  	p1 =	sgt.s32 @!p0 s14, $0xC2D0  }
0x25: {  	s15 =	smov.u32 s14;
	s16 =	sshra.s32 @!p0 s14, $0x1F;
	p1 =	por !p1, p0  }
0x26: {  	s14 =	sand.u32 @!p0 s16, s14;
	s15 =	simm.s32 @p1 $0xC2D0  }
0x27: {  	s14 =	ssub.s32 @!p0 s15, s14  }
0x28: {  	s14 =	sadd.s32 @!p0 $0xFFFF3D30, s14  }
0x29: {  	s15 =	sshll.u32 @!p0 s14, $0x7  }
0x2a: {  	p1 =	sgt.s32 @!p0 s14, $0x7F;
	s14 =	ssub.s32 @!p0 $0x4000, s15  }
0x2b: {  	s16 =	sadd.s32 $0x800, s12;
	p1 =	por !p1, p0;
	s14 =	sand.u32 @!p0 $0x3FFFFF80, s14  }
0x2c: {  	s14 =	simm.s32 @!p1 $0x0;
	p1 =	sgt.s32 s16, $0xC34F  }
0x2d: {  	s16 =	smov.u32 @p1 s3;
	p1 =	sne.s32 s13, s8  }
.Ltmp1:
0x2e: {  	_ = 	snop;
	(pc) =	sbr.rel @!p1 .LBB1_11-.Ltmp1, $4  }
0x2f: {  	s10 =	sadd.s32 $0x4000, s10;
	s15 =	simm.s32 @!p0 $0x2  }
0x30: {  	_ =	swait.ge @!p0 [sflag:s15], s14;
	s17 =	ssub.s32 @!p0 $0x0, s14;
	s14 =	smov.u32 s11  }
0x31: {  	s13 =	sadd.s32 $0x1, s13;
	s11 =	smov.u32 s12;
	[sflag:s15] =	ssyncset.done @!p0 $0x0  }
0x32: {  	s12 =	smov.u32 s16;
	[sflag:s15] =	ssyncadd.s32 @!p0 s17;
	s15 =	smov.u32 s2  }
.LBB1_1:
0x33: {  	p0 =	sge.u32 s13, s6  }
0x34: {  	p1 =	sgt.s32 @!p0 s12, $0xC2D0  }
0x35: {  	s16 =	smov.u32 s12;
	s17 =	sshra.s32 @!p0 s12, $0x1F;
	p1 =	por !p1, p0  }
0x36: {  	s17 =	sand.u32 @!p0 s17, s12;
	s16 =	simm.s32 @p1 $0xC2D0  }
0x37: {  	s16 =	ssub.s32 @!p0 s16, s17  }
0x38: {  	s31 =	sadd.s32 $0xFFFFFFFF, s13;
	s18 =	sxor.u32 @!p0 $0xFFFFFFFF, s13;
	s16 =	sadd.s32 @!p0 $0xFFFF3D30, s16  }
0x39: {  	s19 =	simm.s32 @!p0 $0x80;
	s20 =	simm.s32 @!p0 $0x100;
	s17 =	sshll.u32 @!p0 s16, $0x7  }
0x3a: {  	p1 =	sgt.s32 @!p0 s16, $0x7F;
	s16 =	ssub.s32 @!p0 $0x4000, s17;
	s17 =	sshll.u32 @!p0 s18, $0xE  }
0x3b: {  	p1 =	por !p1, p0;
	s18 =	sshll.u32 @!p0 s12, $0x5;
	s16 =	sand.u32 @!p0 $0x3FFFFF80, s16  }
0x3c: {  	s17 =	sand.u32 @!p0 $0x4000, s17;
	s18 =	sadd.s32 @!p0 s18, s7;
	s16 =	simm.s32 @!p1 $0x0  }
0x3d: {  	[tilespmem:s17], [sflag:$0x1] =	stream.strided.gather @!p0 [hbm4b:s18+s19], s16, s20, s19, $0x38;
	[tilespmem:$0x10000] =	vst v63  }
0x3e: {  	p0 =	sge.u32 s31, s6  }
.Ltmp2:
0x3f: {  	_ = 	snop;
	(pc) =	sbr.rel @p0 .LBB1_10-.Ltmp2, $1  }
0x40: {  	_ =	sdelay $0x3  }
0x41: {  	p0 =	sgt.s32 s11, $0xC2D0;
	s16 =	smov.u32 s11;
	s17 =	sshra.s32 s11, $0x1F  }
0x42: {  	s16 =	simm.s32 @!p0 $0xC2D0;
	s17 =	sand.u32 s17, s11  }
0x43: {  	s16 =	ssub.s32 s16, s17  }
0x44: {  	s16 =	sadd.s32 $0xFFFF3D30, s16  }
0x45: {  	s30 =	sshll.u32 s16, $0x7  }
0x46: {  	s17 =	ssub.s32 $0x4000, s30  }
0x47: {  	p0 =	sgt.s32 s16, $0x7F;
	s16 =	sand.u32 $0x3FFFFF80, s17;
	s17 =	sadd.s32 $0x80, s11  }
0x48: {  	s16 =	simm.s32 @p0 $0x0;
	p0 =	slt.s32 s17, $0xC350  }
0x49: {  	s17 =	simm.s32 @!p0 $0xC350  }
0x4a: {  	s20 =	ssub.s32 s17, s11  }
0x4b: {  	p0 =	slt.s32 s20, $0x1  }
.Ltmp3:
0x4c: {  	_ = 	snop;
	(pc) =	sbr.rel @p0 .LBB1_9-.Ltmp3, $4  }
0x4d: {  	_ = 	snop  }
0x4e: {  	s19 =	sshll.u32 s13, $0xE;
	_ =	swait.ge [sflag:s5], s16  }
0x4f: {  	s31 =	sand.u32 $0x4000, s19;
	s18 =	ssub.s32 $0x0, s16;
	[sflag:s5] =	ssyncset.done $0x0  }
0x50: {  	s17 =	sor.u32 $0x8000, s31;
	[sflag:s5] =	ssyncadd.s32 s18  }
0x51: {  	p1 =	sne.s32 s20, $0x1  }
.Ltmp4:
0x52: {  	v0 =	vmov s17;
	(pc) =	sbr.rel @!p1 .LBB1_4-.Ltmp4, $4  }
0x53: {  	_ = 	snop  }
0x54: {  	s18 =	sand.u32 $0x4000, s10  }
0x55: {  	s18 =	sor.u32 $0x40, s18  }
0x56: {  	s19 =	simm.s32 $0x0;
	s21 =	sadd.s32 $0xFFFFFFFF, s20;
	p0 =	por $0x0, $0x0;
	v1 =	vld [tilespmem:s18+$0x30]  }
0x57: {  	v4 =	vld [tilespmem:s18+$0xFFFFFFC0]  }
0x58: {  	v6 =	vld [tilespmem:s18+$0xFFFFFFD0]  }
0x59: {  	v7 =	vld [tilespmem:s18+$0xFFFFFFE0];
	p1 =	sne.s32 s21, $0x1  }
.Ltmp5:
0x5a: {  	v2 =	vld [tilespmem:s18+$0xFFFFFFF0];
	s20 =	sand.u32 $0x3F80, s19;
	(pc) =	sbr.rel @!p1 .LBB1_6-.Ltmp5, $4  }
0x5b: {  	v3 =	vld [tilespmem:s18+$0x0];
	[tilespmem:v0+s20+$0x70 ss:$0x1] =	vst.idx.msk $0xffff, v1  }
0x5c: {  	v5 =	vld [tilespmem:s18+$0x10];
	[tilespmem:v0+s20+$0x0 ss:$0x1] =	vst.idx.msk $0xffff, v4  }
0x5d: {  	v4 =	vld [tilespmem:s18+$0x20];
	[tilespmem:v0+s20+$0x10 ss:$0x1] =	vst.idx.msk $0xffff, v6;
	s18 =	sadd.s32 $0x80, s18  }
0x5e: {  	s22 =	sadd.s32 $0xFFFFFFFF, s21;
	p0 =	por $0x1, $0x1;
	s21 =	simm.s32 $0x0;
	[tilespmem:v0+s20+$0x20 ss:$0x1] =	vst.idx.msk $0xffff, v7;
	v1 =	vld [tilespmem:s18+$0x30]  }
.LBB1_7:
0x5f: {  	p1 =	sne.s32 s22, $0x1;
	v6 =	vld [tilespmem:s18+$0xFFFFFFC0];
	[tilespmem:v0+s20+$0x30 ss:$0x1] =	vst.idx.msk $0xffff, v2  }
0x60: {  	v7 =	vld [tilespmem:s18+$0xFFFFFFD0];
	[tilespmem:v0+s20+$0x40 ss:$0x1] =	vst.idx.msk $0xffff, v3  }
0x61: {  	s21 =	sadd.s32 $0x80, s21;
	v8 =	vld [tilespmem:s18+$0xFFFFFFE0];
	[tilespmem:v0+s20+$0x50 ss:$0x1] =	vst.idx.msk $0xffff, v5  }
.Ltmp6:
0x62: {  	v2 =	vld [tilespmem:s18+$0xFFFFFFF0];
	[tilespmem:v0+s20+$0x60 ss:$0x1] =	vst.idx.msk $0xffff, v4;
	s20 =	sand.u32 $0x3F80, s21;
	(pc) =	sbr.rel @p1 .LBB1_7-.Ltmp6, $4  }
0x63: {  	v3 =	vld [tilespmem:s18+$0x0];
	[tilespmem:v0+s20+$0x70 ss:$0x1] =	vst.idx.msk $0xffff, v1  }
0x64: {  	[tilespmem:v0+s20+$0x0 ss:$0x1] =	vst.idx.msk $0xffff, v6;
	v5 =	vld [tilespmem:s18+$0x10]  }
0x65: {  	[tilespmem:v0+s20+$0x10 ss:$0x1] =	vst.idx.msk $0xffff, v7;
	v4 =	vld [tilespmem:s18+$0x20];
	s18 =	sadd.s32 $0x80, s18  }
0x66: {  	s22 =	sadd.s32 $0xFFFFFFFF, s22;
	v1 =	vld [tilespmem:s18+$0x30];
	[tilespmem:v0+s20+$0x20 ss:$0x1] =	vst.idx.msk $0xffff, v8  }
.Ltmp7:
0x67: {  	_ = 	snop;
	(pc) =	sbr.rel .LBB1_8-.Ltmp7, $1  }
0x68: {  	_ =	sdelay $0x3  }
.LBB1_6:
.Ltmp8:
0x69: {  	(pc) =	sbr.rel .LBB1_8-.Ltmp8, $2  }
0x6a: {  	_ =	sdelay $0x2  }
0x6b: {  	s21 =	simm.s32 $0x0  }
.LBB1_11:
0x6c: {  	_ =	sfence.sel $0x180000  }
0x6d: {  	s2 =	simm.s32 $0x1;
	[bflag:$0x0] =	sbarrier.arrive $0xFFFF  }
0x6e: {  	s31 =	simm.s32 $0x2;
	[sflag:s2] =	ssyncpa.u1 $0x1  }
0x6f: {  	[sflag:s31] =	ssyncpa.u1 $0x1  }
0x70: {  	p0 =	sne.s32 s0, $0x0;
	_ =	strace $0x90000047  }
0x71: {  	s0 =	sadd.s32 @!p0 $0x100000, s1;
	[bflag:$0x2] =	sbarrier.arrive $0xFFFF  }
0x72: {  	[sflag:s0] =	ssyncadd.tile.s32 @!p0 $0x1;
	_ =	shalt  }
.Lfunc_end1:
_tile_overlayer_lowered:
.L_overlay_start_2:
0x73: {  	(tag) =	ssettag $0x2  }
0x74: {  	s0 =	rddreg [dreg:$0x0];
	s2 =	stileid.u32  }
0x75: {  	s1 =	rddreg [dreg:$0x1];
	p0 =	sne.s32 s2, $0x0  }
0x76: {  	s3 =	rddreg [dreg:$0x2];
	[bflag:$0x3] =	sbarrier.arrive $0xFFFF;
	s2 =	simm.s32 @!p0 $0x1C01  }
0x77: {  	[timem:s3], [sflag:s2] =	dma.local @!p0 [hbm:s0], s1  }
0x78: {  	s0 =	simm.s32 @!p0 $0x1  }
0x79: {  	_ =	swait.ge @!p0 [sflag:s0], s1  }
0x7a: {  	s1 =	ssub.s32 @!p0 $0x0, s1;
	[sflag:s0] =	ssyncset.done @!p0 $0x0  }
0x7b: {  	[sflag:s0] =	ssyncadd.s32 @!p0 s1  }
0x7c: {  	[bflag:$0x3] =	sbarrier.arrive $0xFFFF  }
0x7d: {  	_ =	shalt  }

</sc_bundles>
